<compile_context>
chip_gen: v7x
topology: tpu7x:2x2x1
jax: 0.10.2.dev20260603
libtpu: 0.0.44.dev20260713+nightly
codegen_flags: <defaults>
</compile_context>

<pallas_src>
import functools

import jax
import jax.numpy as jnp
from jax import lax
from jax.experimental import pallas as pl
from jax.experimental.pallas import tpu as pltpu
from jax.experimental.pallas import tpu_sc as plsc

_N = 10000
_D = 128
_E = 160000
_NB = 4
_NG = 9
_ACC_N = 10240
_NW = 32
_CHUNK = 128
_E_PAD = 163840
_E_TILE = _E_PAD // _NW
_NCH = _E_TILE // _CHUNK
_ROWS_PER_TILE = _ACC_N // 16
_BN = 1000



def _project(x, w_ref, c_ref, s_ref, y_ref):
    xb = [jnp.dot(x, w_ref[b], preferred_element_type=jnp.float32)
          for b in range(_NB)]
    for r in range(_NG - 1):
        acc = c_ref[r, 0] * xb[0]
        for b in range(1, _NB):
            acc = acc + c_ref[r, b] * xb[b]
        y_ref[r, :, :] = acc
    y_ref[_NG - 1, :, :] = jnp.dot(
        x, s_ref[...], preferred_element_type=jnp.float32)


def _mm1_kernel(x_ref, w_ref, c_ref, s_ref, y_ref):
    _project(x_ref[...], w_ref, c_ref, s_ref, y_ref)


def _mm2_kernel(p0_ref, sp_ref, w_ref, c_ref, s_ref, h_ref, y_ref):
    h = jnp.maximum(p0_ref[0] + sp_ref[0], 0.0)
    h_ref[...] = h
    _project(h, w_ref, c_ref, s_ref, y_ref)


def _relu_kernel(p0_ref, sp_ref, h_ref):
    h_ref[...] = jnp.maximum(p0_ref[0] + sp_ref[0], 0.0)


_GRID = _N // _BN

_W_SPEC = pl.BlockSpec((_NB, _D, _D), lambda i: (0, 0, 0))
_C_SPEC = pl.BlockSpec(memory_space=pltpu.SMEM)
_S_SPEC = pl.BlockSpec((_D, _D), lambda i: (0, 0))
_X_SPEC = pl.BlockSpec((_BN, _D), lambda i: (i, 0))
_Y_SPEC = pl.BlockSpec((_NG, _BN, _D), lambda i: (0, i, 0))
_P0_SPEC = pl.BlockSpec((1, _BN, _D), lambda i: (0, i, 0))
_SP_SPEC = pl.BlockSpec((1, _BN, _D), lambda i: (_NG - 1, i, 0))

_mm1 = pl.pallas_call(
    _mm1_kernel,
    grid=(_GRID,),
    in_specs=[_X_SPEC, _W_SPEC, _C_SPEC, _S_SPEC],
    out_specs=_Y_SPEC,
    out_shape=jax.ShapeDtypeStruct((_NG, _N, _D), jnp.float32),
)

_mm2 = pl.pallas_call(
    _mm2_kernel,
    grid=(_GRID,),
    in_specs=[_P0_SPEC, _SP_SPEC, _W_SPEC, _C_SPEC, _S_SPEC],
    out_specs=[_X_SPEC, _Y_SPEC],
    out_shape=[
        jax.ShapeDtypeStruct((_N, _D), jnp.float32),
        jax.ShapeDtypeStruct((_NG, _N, _D), jnp.float32),
    ],
)

_relu = pl.pallas_call(
    _relu_kernel,
    grid=(_GRID,),
    in_specs=[_P0_SPEC, _SP_SPEC],
    out_specs=_X_SPEC,
    out_shape=jax.ShapeDtypeStruct((_N, _D), jnp.float32),
)



_DEPTH = 2
_Q0 = 80
_QHALF = _Q0 // 2


@functools.cache
def _make_sc_scatter():
    mesh = plsc.VectorSubcoreMesh(core_axis_name="c", subcore_axis_name="s")

    @functools.partial(
        pl.kernel,
        out_type=jax.ShapeDtypeStruct((1, _ACC_N, _D), jnp.float32),
        mesh=mesh,
        scratch_types=(
            [pltpu.VMEM((_QHALF, _CHUNK), jnp.int32)] * 2
            + [pltpu.VMEM((_CHUNK, _D), jnp.float32)] * _DEPTH
            + [pltpu.VMEM_SHARED((_ACC_N, _D), jnp.float32)]
            + [pltpu.SemaphoreType.DMA] * (2 * _DEPTH)
        ),
    )
    def _sc_scatter(table_hbm, gidx_hbm, sidx_hbm, out_hbm,
                    gi_v, si_v, *scr):
        rows = scr[:_DEPTH]
        acc_sh = scr[_DEPTH]
        gsem = scr[_DEPTH + 1:2 * _DEPTH + 1]
        ssem = scr[2 * _DEPTH + 1:]
        cid = lax.axis_index("c")
        sid = lax.axis_index("s")
        ngen = _QHALF // _DEPTH

        def wait_gather(b):
            pltpu.make_async_copy(
                table_hbm.at[gi_v.at[b]], rows[b], gsem[b]).wait()

        def wait_scatter(b):
            pltpu.make_async_copy(
                rows[b], acc_sh.at[si_v.at[b]], ssem[b]).wait()

        def run_half(cbase):
            pltpu.sync_copy(gidx_hbm.at[pl.ds(cbase, _QHALF)], gi_v)
            pltpu.sync_copy(sidx_hbm.at[pl.ds(cbase, _QHALF)], si_v)
            for b in range(_DEPTH):
                pltpu.async_copy(table_hbm.at[gi_v.at[b]], rows[b], gsem[b])

            def gen_body(g, carry):
                base_j = g * _DEPTH
                for b in range(_DEPTH):
                    wait_gather(b)
                    pltpu.async_copy(
                        rows[b], acc_sh.at[si_v.at[base_j + b]], ssem[b],
                        add=True)
                for b in range(_DEPTH):
                    wait_scatter(b)

                    @pl.when(g + 1 < ngen)
                    def _():
                        jn = base_j + _DEPTH + b
                        pltpu.async_copy(
                            table_hbm.at[gi_v.at[jn]], rows[b], gsem[b])
                return carry

            lax.fori_loop(0, ngen, gen_body, 0)

        @pl.when(cid == 0)
        def _():
            zv = jnp.zeros((16,), jnp.float32)

            def zrow(i, carry):
                for j in range(8):
                    rows[0][i, 16 * j:16 * (j + 1)] = zv
                return carry

            lax.fori_loop(0, _CHUNK, zrow, 0)
            row0 = pl.multiple_of(sid * _ROWS_PER_TILE, _ROWS_PER_TILE)
            for z in range(_ROWS_PER_TILE // _CHUNK):
                pltpu.async_copy(
                    rows[0], acc_sh.at[pl.ds(row0 + z * _CHUNK, _CHUNK)],
                    ssem[0])
            for z in range(_ROWS_PER_TILE // _CHUNK):
                pltpu.make_async_copy(
                    rows[0], acc_sh.at[pl.ds(row0, _CHUNK)], ssem[0]).wait()
            plsc.subcore_barrier()
            run_half(sid * _Q0)
            run_half(sid * _Q0 + _QHALF)
            plsc.subcore_barrier()
            pltpu.sync_copy(acc_sh.at[pl.ds(row0, _ROWS_PER_TILE)],
                            out_hbm.at[0, pl.ds(row0, _ROWS_PER_TILE)])

    return _sc_scatter



def kernel(x, edge_index, edge_type, weight1, w_comp1, self_loop1,
           weight2, w_comp2, self_loop2):
    src = edge_index[0]
    dst = edge_index[1]
    pad = _E_PAD - _E
    gidx = jnp.concatenate(
        [edge_type * _N + src, jnp.zeros((pad,), jnp.int32)])
    sidx = jnp.concatenate(
        [dst, _N + (jnp.arange(pad, dtype=jnp.int32) % (_ACC_N - _N))])
    gidx = gidx.reshape(_NW * _NCH, _CHUNK)
    sidx = sidx.reshape(_NW * _NCH, _CHUNK)

    sc_scatter = _make_sc_scatter()
    y1 = _mm1(x, weight1, w_comp1, self_loop1)
    parts1 = sc_scatter(y1.reshape(_NG * _N, _D), gidx, sidx)
    h1, y2 = _mm2(parts1, y1, weight2, w_comp2, self_loop2)
    parts2 = sc_scatter(y2.reshape(_NG * _N, _D), gidx, sidx)
    h2 = _relu(parts2, y2)
    lane = jnp.arange(2, dtype=jnp.int32).reshape(1, 2, 1)
    return jnp.where(lane == 0, h1[:, None, :], h2[:, None, :])

# --- scband reference (transcript-rebuilt; emitter-appended) ---
"""Pipeline reference for scband-graph-classifier-70806830842510 (READ-ONLY COPY).

The authoritative reference and input builder live on the scoring server;
editing this copy changes nothing except your own understanding.
"""

import jax, jax.numpy as jnp
import numpy as np

N = 10000
E = 160000
D = 128
NUM_RELS = 8
NUM_BASES = 4


def setup_inputs(seed: int = 0) -> dict:
    key = jax.random.key(seed)
    ks = jax.random.split(key, 10)
    x = jax.random.normal(ks[0], (N, D), dtype=jnp.float32)
    edge_index = jax.random.randint(ks[1], (2, E), 0, N, dtype=jnp.int32)
    edge_type = jax.random.randint(ks[2], (E,), 0, NUM_RELS, dtype=jnp.int32)
    # layer 1 params (basis-decomposed relation weights, composition coeffs, self-loop)
    weight1 = jax.random.normal(ks[3], (NUM_BASES, D, D), dtype=jnp.float32) * (1.0 / np.sqrt(D))
    w_comp1 = jax.random.normal(ks[4], (NUM_RELS, NUM_BASES), dtype=jnp.float32) * 0.5
    self_loop1 = jax.random.normal(ks[5], (D, D), dtype=jnp.float32) * (1.0 / np.sqrt(D))
    # layer 2 params
    weight2 = jax.random.normal(ks[6], (NUM_BASES, D, D), dtype=jnp.float32) * (1.0 / np.sqrt(D))
    w_comp2 = jax.random.normal(ks[7], (NUM_RELS, NUM_BASES), dtype=jnp.float32) * 0.5
    self_loop2 = jax.random.normal(ks[8], (D, D), dtype=jnp.float32) * (1.0 / np.sqrt(D))
    return {
        "x": x,
        "edge_index": edge_index,
        "edge_type": edge_type,
        "weight1": weight1,
        "w_comp1": w_comp1,
        "self_loop1": self_loop1,
        "weight2": weight2,
        "w_comp2": w_comp2,
        "self_loop2": self_loop2,
    }


def _rgcn_basis_layer(x, src, dst, etype, weight, w_comp, self_loop):
    # W[r] = sum_b w_comp[r, b] * weight[b]; msg_e = x[src_e] @ W[etype_e]
    # computed without materializing per-edge [E, D, D] weights:
    # msg_e = sum_b w_comp[etype_e, b] * (x[src_e] @ weight[b])
    c = jnp.take(w_comp, etype, axis=0)          # [E, NUM_BASES] gather
    x_src = jnp.take(x, src, axis=0)             # [E, D] gather
    msg = jnp.zeros((x_src.shape[0], weight.shape[2]), dtype=x.dtype)
    for b in range(weight.shape[0]):
        msg = msg + c[:, b:b + 1] * (x_src @ weight[b])
    # edge weights w = 1 (edge_dropout = Identity), alpha = 1 (has_attn=False),
    # SumAggregator: h_dst = sum_in-edges(alpha * msg) + dst @ self_loop_weight
    agg = jax.ops.segment_sum(msg, dst, num_segments=x.shape[0])  # scatter-add
    curr = x @ self_loop
    h = agg + curr
    return jax.nn.relu(h)  # activation=relu, bias=None, dropout=0


def reference(x, edge_index, edge_type, weight1, w_comp1, self_loop1, weight2, w_comp2, self_loop2):
    src = edge_index[0]
    dst = edge_index[1]
    h1 = _rgcn_basis_layer(x, src, dst, edge_type, weight1, w_comp1, self_loop1)
    h2 = _rgcn_basis_layer(h1, src, dst, edge_type, weight2, w_comp2, self_loop2)
    # g.ndata['repr'] accumulation: [N, num_layers, out_dim]
    return jnp.stack([h1, h2], axis=1)

if __name__ == "__main__":
    import jax
    _d = setup_inputs()
    print(jax.jit(kernel)(*tuple(_d.values())))

</pallas_src>

<mosaic_0001>
#map = affine_map<(d0, d1) -> (0, 0)>
#map1 = affine_map<(d0, d1) -> (0, 0, 0)>
module attributes {stable_mosaic.version = 14 : i64} {
  func.func @_sc_scatter(%arg0: i32, %arg1: i32, %arg2: memref<90000x128xf32, #tpu.memory_space<hbm>>, %arg3: memref<1280x128xi32, #tpu.memory_space<hbm>>, %arg4: memref<1280x128xi32, #tpu.memory_space<hbm>>, %arg5: memref<1x10240x128xf32, #tpu.memory_space<hbm>>, %arg6: memref<40x128xi32, #tpu.memory_space<vmem>>, %arg7: memref<40x128xi32, #tpu.memory_space<vmem>>, %arg8: memref<128x128xf32, #tpu.memory_space<vmem>>, %arg9: memref<128x128xf32, #tpu.memory_space<vmem>>, %arg10: memref<10240x128xf32, #tpu.memory_space<vmem_shared>>, %arg11: memref<!tpu.dma_semaphore, #tpu.memory_space<semaphore_mem>>, %arg12: memref<!tpu.dma_semaphore, #tpu.memory_space<semaphore_mem>>, %arg13: memref<!tpu.dma_semaphore, #tpu.memory_space<semaphore_mem>>, %arg14: memref<!tpu.dma_semaphore, #tpu.memory_space<semaphore_mem>>) attributes {dimension_semantics = [#tpu.dimension_semantics<core_parallel>, #tpu.dimension_semantics<subcore_parallel>], iteration_bounds = array<i64: 2, 16>, scalar_prefetch = 0 : i64, scratch_operands = 9 : i64, tpu.core_type = #tpu.core_type<sc_vector_subcore>, window_params = [{transform_indices = #map}, {transform_indices = #map}, {transform_indices = #map}, {transform_indices = #map1}]} {
    %eq3A = arith.constant 0 : i32
    %eq3A_0 = arith.cmpi eq, %arg0, %eq3A : i32
    %convert_element_type3A = arith.extui %eq3A_0 : i1 to i32
    %cond3A = arith.constant 0 : i32
    %cond3A_1 = arith.cmpi ne, %convert_element_type3A, %cond3A : i32
    scf.if %cond3A_1 {
      %broadcast_in_dim3A = arith.constant 0.000000e+00 : f32
      %broadcast_in_dim3A_2 = vector.broadcast %broadcast_in_dim3A : f32 to vector<16xf32>
      %scan3A = arith.constant 0 : i32
      %scan3A_3 = arith.constant 0 : i32
      %scan3A_4 = arith.constant 128 : i32
      %scan3A_5 = arith.addi %scan3A_3, %scan3A_4 : i32
      %scan3A_6 = arith.constant 1 : i32
      scf.for %scan3A_103 = %scan3A_3 to %scan3A_5 step %scan3A_6  : i32 {
        %swap3A = arith.index_cast %scan3A_103 : i32 to index
        %swap3A_104 = arith.constant 0 : index
        %swap3A_105 = tpu.vector_load %arg8[%swap3A, %swap3A_104] {strides = array<i32>} : memref<128x128xf32, #tpu.memory_space<vmem>>, vector<1x16xf32>,
        %swap3A_106 = vector.shape_cast %swap3A_105 : vector<1x16xf32> to vector<16xf32>
        %swap3A_107 = vector.shape_cast %broadcast_in_dim3A_2 : vector<16xf32> to vector<1x16xf32>
        tpu.vector_store %arg8[%swap3A, %swap3A_104], %swap3A_107 {strides = array<i32>} : memref<128x128xf32, #tpu.memory_space<vmem>>, vector<1x16xf32>,
        %swap3A_108 = arith.index_cast %scan3A_103 : i32 to index
        %swap3A_109 = arith.constant 16 : index
        %swap3A_110 = tpu.vector_load %arg8[%swap3A_108, %swap3A_109] {strides = array<i32>} : memref<128x128xf32, #tpu.memory_space<vmem>>, vector<1x16xf32>,
        %swap3A_111 = vector.shape_cast %swap3A_110 : vector<1x16xf32> to vector<16xf32>
        %swap3A_112 = vector.shape_cast %broadcast_in_dim3A_2 : vector<16xf32> to vector<1x16xf32>
        tpu.vector_store %arg8[%swap3A_108, %swap3A_109], %swap3A_112 {strides = array<i32>} : memref<128x128xf32, #tpu.memory_space<vmem>>, vector<1x16xf32>,
        %swap3A_113 = arith.index_cast %scan3A_103 : i32 to index
        %swap3A_114 = arith.constant 32 : index
        %swap3A_115 = tpu.vector_load %arg8[%swap3A_113, %swap3A_114] {strides = array<i32>} : memref<128x128xf32, #tpu.memory_space<vmem>>, vector<1x16xf32>,
        %swap3A_116 = vector.shape_cast %swap3A_115 : vector<1x16xf32> to vector<16xf32>
        %swap3A_117 = vector.shape_cast %broadcast_in_dim3A_2 : vector<16xf32> to vector<1x16xf32>
        tpu.vector_store %arg8[%swap3A_113, %swap3A_114], %swap3A_117 {strides = array<i32>} : memref<128x128xf32, #tpu.memory_space<vmem>>, vector<1x16xf32>,
        %swap3A_118 = arith.index_cast %scan3A_103 : i32 to index
        %swap3A_119 = arith.constant 48 : index
        %swap3A_120 = tpu.vector_load %arg8[%swap3A_118, %swap3A_119] {strides = array<i32>} : memref<128x128xf32, #tpu.memory_space<vmem>>, vector<1x16xf32>,
        %swap3A_121 = vector.shape_cast %swap3A_120 : vector<1x16xf32> to vector<16xf32>
        %swap3A_122 = vector.shape_cast %broadcast_in_dim3A_2 : vector<16xf32> to vector<1x16xf32>
        tpu.vector_store %arg8[%swap3A_118, %swap3A_119], %swap3A_122 {strides = array<i32>} : memref<128x128xf32, #tpu.memory_space<vmem>>, vector<1x16xf32>,
        %swap3A_123 = arith.index_cast %scan3A_103 : i32 to index
        %swap3A_124 = arith.constant 64 : index
        %swap3A_125 = tpu.vector_load %arg8[%swap3A_123, %swap3A_124] {strides = array<i32>} : memref<128x128xf32, #tpu.memory_space<vmem>>, vector<1x16xf32>,
        %swap3A_126 = vector.shape_cast %swap3A_125 : vector<1x16xf32> to vector<16xf32>
        %swap3A_127 = vector.shape_cast %broadcast_in_dim3A_2 : vector<16xf32> to vector<1x16xf32>
        tpu.vector_store %arg8[%swap3A_123, %swap3A_124], %swap3A_127 {strides = array<i32>} : memref<128x128xf32, #tpu.memory_space<vmem>>, vector<1x16xf32>,
        %swap3A_128 = arith.index_cast %scan3A_103 : i32 to index
        %swap3A_129 = arith.constant 80 : index
        %swap3A_130 = tpu.vector_load %arg8[%swap3A_128, %swap3A_129] {strides = array<i32>} : memref<128x128xf32, #tpu.memory_space<vmem>>, vector<1x16xf32>,
        %swap3A_131 = vector.shape_cast %swap3A_130 : vector<1x16xf32> to vector<16xf32>
        %swap3A_132 = vector.shape_cast %broadcast_in_dim3A_2 : vector<16xf32> to vector<1x16xf32>
        tpu.vector_store %arg8[%swap3A_128, %swap3A_129], %swap3A_132 {strides = array<i32>} : memref<128x128xf32, #tpu.memory_space<vmem>>, vector<1x16xf32>,
        %swap3A_133 = arith.index_cast %scan3A_103 : i32 to index
        %swap3A_134 = arith.constant 96 : index
        %swap3A_135 = tpu.vector_load %arg8[%swap3A_133, %swap3A_134] {strides = array<i32>} : memref<128x128xf32, #tpu.memory_space<vmem>>, vector<1x16xf32>,
        %swap3A_136 = vector.shape_cast %swap3A_135 : vector<1x16xf32> to vector<16xf32>
        %swap3A_137 = vector.shape_cast %broadcast_in_dim3A_2 : vector<16xf32> to vector<1x16xf32>
        tpu.vector_store %arg8[%swap3A_133, %swap3A_134], %swap3A_137 {strides = array<i32>} : memref<128x128xf32, #tpu.memory_space<vmem>>, vector<1x16xf32>,
        %swap3A_138 = arith.index_cast %scan3A_103 : i32 to index
        %swap3A_139 = arith.constant 112 : index
        %swap3A_140 = tpu.vector_load %arg8[%swap3A_138, %swap3A_139] {strides = array<i32>} : memref<128x128xf32, #tpu.memory_space<vmem>>, vector<1x16xf32>,
        %swap3A_141 = vector.shape_cast %swap3A_140 : vector<1x16xf32> to vector<16xf32>
        %swap3A_142 = vector.shape_cast %broadcast_in_dim3A_2 : vector<16xf32> to vector<1x16xf32>
        tpu.vector_store %arg8[%swap3A_138, %swap3A_139], %swap3A_142 {strides = array<i32>} : memref<128x128xf32, #tpu.memory_space<vmem>>, vector<1x16xf32>,
      }
      %scan3A_7 = arith.constant 128 : i32
      %mul3A = arith.constant 640 : i32
      %mul3A_8 = arith.muli %arg1, %mul3A : i32
      %multiple_of3A = tpu.assume_multiple %mul3A_8, 640 : i32
      %add3A = arith.constant 0 : i32
      %add3A_9 = arith.addi %multiple_of3A, %add3A : i32
      %dma_start3A = arith.constant 0 : i32
      %dma_start3A_10 = tpu.memref_slice %arg10[%add3A_9, %dma_start3A] : memref<10240x128xf32, #tpu.memory_space<vmem_shared>> -> memref<128x128xf32, #tpu.memory_space<vmem_shared>>
      %dma_start3A_11 = arith.constant 0 : i32
      %dma_start3A_12 = tpu.memref_slice %arg10[%add3A_9, %dma_start3A_11] : memref<10240x128xf32, #tpu.memory_space<vmem_shared>> -> memref<128x128xf32, #tpu.memory_space<vmem_shared>>
      tpu.enqueue_dma source(%arg8 : memref<128x128xf32, #tpu.memory_space<vmem>>) target(%dma_start3A_12 : memref<128x128xf32, #tpu.memory_space<vmem_shared>>) target_semaphore(%arg13 : memref<!tpu.dma_semaphore, #tpu.memory_space<semaphore_mem>>)
      %add3A_13 = arith.constant 128 : i32
      %add3A_14 = arith.addi %multiple_of3A, %add3A_13 : i32
      %dma_start3A_15 = arith.constant 0 : i32
      %dma_start3A_16 = tpu.memref_slice %arg10[%add3A_14, %dma_start3A_15] : memref<10240x128xf32, #tpu.memory_space<vmem_shared>> -> memref<128x128xf32, #tpu.memory_space<vmem_shared>>
      %dma_start3A_17 = arith.constant 0 : i32
      %dma_start3A_18 = tpu.memref_slice %arg10[%add3A_14, %dma_start3A_17] : memref<10240x128xf32, #tpu.memory_space<vmem_shared>> -> memref<128x128xf32, #tpu.memory_space<vmem_shared>>
      tpu.enqueue_dma source(%arg8 : memref<128x128xf32, #tpu.memory_space<vmem>>) target(%dma_start3A_18 : memref<128x128xf32, #tpu.memory_space<vmem_shared>>) target_semaphore(%arg13 : memref<!tpu.dma_semaphore, #tpu.memory_space<semaphore_mem>>)
      %add3A_19 = arith.constant 256 : i32
      %add3A_20 = arith.addi %multiple_of3A, %add3A_19 : i32
      %dma_start3A_21 = arith.constant 0 : i32
      %dma_start3A_22 = tpu.memref_slice %arg10[%add3A_20, %dma_start3A_21] : memref<10240x128xf32, #tpu.memory_space<vmem_shared>> -> memref<128x128xf32, #tpu.memory_space<vmem_shared>>
      %dma_start3A_23 = arith.constant 0 : i32
      %dma_start3A_24 = tpu.memref_slice %arg10[%add3A_20, %dma_start3A_23] : memref<10240x128xf32, #tpu.memory_space<vmem_shared>> -> memref<128x128xf32, #tpu.memory_space<vmem_shared>>
      tpu.enqueue_dma source(%arg8 : memref<128x128xf32, #tpu.memory_space<vmem>>) target(%dma_start3A_24 : memref<128x128xf32, #tpu.memory_space<vmem_shared>>) target_semaphore(%arg13 : memref<!tpu.dma_semaphore, #tpu.memory_space<semaphore_mem>>)
      %add3A_25 = arith.constant 384 : i32
      %add3A_26 = arith.addi %multiple_of3A, %add3A_25 : i32
      %dma_start3A_27 = arith.constant 0 : i32
      %dma_start3A_28 = tpu.memref_slice %arg10[%add3A_26, %dma_start3A_27] : memref<10240x128xf32, #tpu.memory_space<vmem_shared>> -> memref<128x128xf32, #tpu.memory_space<vmem_shared>>
      %dma_start3A_29 = arith.constant 0 : i32
      %dma_start3A_30 = tpu.memref_slice %arg10[%add3A_26, %dma_start3A_29] : memref<10240x128xf32, #tpu.memory_space<vmem_shared>> -> memref<128x128xf32, #tpu.memory_space<vmem_shared>>
      tpu.enqueue_dma source(%arg8 : memref<128x128xf32, #tpu.memory_space<vmem>>) target(%dma_start3A_30 : memref<128x128xf32, #tpu.memory_space<vmem_shared>>) target_semaphore(%arg13 : memref<!tpu.dma_semaphore, #tpu.memory_space<semaphore_mem>>)
      %add3A_31 = arith.constant 512 : i32
      %add3A_32 = arith.addi %multiple_of3A, %add3A_31 : i32
      %dma_start3A_33 = arith.constant 0 : i32
      %dma_start3A_34 = tpu.memref_slice %arg10[%add3A_32, %dma_start3A_33] : memref<10240x128xf32, #tpu.memory_space<vmem_shared>> -> memref<128x128xf32, #tpu.memory_space<vmem_shared>>
      %dma_start3A_35 = arith.constant 0 : i32
      %dma_start3A_36 = tpu.memref_slice %arg10[%add3A_32, %dma_start3A_35] : memref<10240x128xf32, #tpu.memory_space<vmem_shared>> -> memref<128x128xf32, #tpu.memory_space<vmem_shared>>
      tpu.enqueue_dma source(%arg8 : memref<128x128xf32, #tpu.memory_space<vmem>>) target(%dma_start3A_36 : memref<128x128xf32, #tpu.memory_space<vmem_shared>>) target_semaphore(%arg13 : memref<!tpu.dma_semaphore, #tpu.memory_space<semaphore_mem>>)
      %dma_wait3A = arith.constant 0 : i32
      %dma_wait3A_37 = tpu.memref_slice %arg10[%multiple_of3A, %dma_wait3A] : memref<10240x128xf32, #tpu.memory_space<vmem_shared>> -> memref<128x128xf32, #tpu.memory_space<vmem_shared>>
      %dma_wait3A_38 = arith.constant 0 : i32
      %dma_wait3A_39 = tpu.memref_slice %arg10[%multiple_of3A, %dma_wait3A_38] : memref<10240x128xf32, #tpu.memory_space<vmem_shared>> -> memref<128x128xf32, #tpu.memory_space<vmem_shared>>
      tpu.wait_dma2 semaphore(%arg13 : memref<!tpu.dma_semaphore, #tpu.memory_space<semaphore_mem>>) src(%arg8 : memref<128x128xf32, #tpu.memory_space<vmem>>) dst(%dma_wait3A_39 : memref<128x128xf32, #tpu.memory_space<vmem_shared>>)
      %dma_wait3A_40 = arith.constant 0 : i32
      %dma_wait3A_41 = tpu.memref_slice %arg10[%multiple_of3A, %dma_wait3A_40] : memref<10240x128xf32, #tpu.memory_space<vmem_shared>> -> memref<128x128xf32, #tpu.memory_space<vmem_shared>>
      %dma_wait3A_42 = arith.constant 0 : i32
      %dma_wait3A_43 = tpu.memref_slice %arg10[%multiple_of3A, %dma_wait3A_42] : memref<10240x128xf32, #tpu.memory_space<vmem_shared>> -> memref<128x128xf32, #tpu.memory_space<vmem_shared>>
      tpu.wait_dma2 semaphore(%arg13 : memref<!tpu.dma_semaphore, #tpu.memory_space<semaphore_mem>>) src(%arg8 : memref<128x128xf32, #tpu.memory_space<vmem>>) dst(%dma_wait3A_43 : memref<128x128xf32, #tpu.memory_space<vmem_shared>>)
      %dma_wait3A_44 = arith.constant 0 : i32
      %dma_wait3A_45 = tpu.memref_slice %arg10[%multiple_of3A, %dma_wait3A_44] : memref<10240x128xf32, #tpu.memory_space<vmem_shared>> -> memref<128x128xf32, #tpu.memory_space<vmem_shared>>
      %dma_wait3A_46 = arith.constant 0 : i32
      %dma_wait3A_47 = tpu.memref_slice %arg10[%multiple_of3A, %dma_wait3A_46] : memref<10240x128xf32, #tpu.memory_space<vmem_shared>> -> memref<128x128xf32, #tpu.memory_space<vmem_shared>>
      tpu.wait_dma2 semaphore(%arg13 : memref<!tpu.dma_semaphore, #tpu.memory_space<semaphore_mem>>) src(%arg8 : memref<128x128xf32, #tpu.memory_space<vmem>>) dst(%dma_wait3A_47 : memref<128x128xf32, #tpu.memory_space<vmem_shared>>)
      %dma_wait3A_48 = arith.constant 0 : i32
      %dma_wait3A_49 = tpu.memref_slice %arg10[%multiple_of3A, %dma_wait3A_48] : memref<10240x128xf32, #tpu.memory_space<vmem_shared>> -> memref<128x128xf32, #tpu.memory_space<vmem_shared>>
      %dma_wait3A_50 = arith.constant 0 : i32
      %dma_wait3A_51 = tpu.memref_slice %arg10[%multiple_of3A, %dma_wait3A_50] : memref<10240x128xf32, #tpu.memory_space<vmem_shared>> -> memref<128x128xf32, #tpu.memory_space<vmem_shared>>
      tpu.wait_dma2 semaphore(%arg13 : memref<!tpu.dma_semaphore, #tpu.memory_space<semaphore_mem>>) src(%arg8 : memref<128x128xf32, #tpu.memory_space<vmem>>) dst(%dma_wait3A_51 : memref<128x128xf32, #tpu.memory_space<vmem_shared>>)
      %dma_wait3A_52 = arith.constant 0 : i32
      %dma_wait3A_53 = tpu.memref_slice %arg10[%multiple_of3A, %dma_wait3A_52] : memref<10240x128xf32, #tpu.memory_space<vmem_shared>> -> memref<128x128xf32, #tpu.memory_space<vmem_shared>>
      %dma_wait3A_54 = arith.constant 0 : i32
      %dma_wait3A_55 = tpu.memref_slice %arg10[%multiple_of3A, %dma_wait3A_54] : memref<10240x128xf32, #tpu.memory_space<vmem_shared>> -> memref<128x128xf32, #tpu.memory_space<vmem_shared>>
      tpu.wait_dma2 semaphore(%arg13 : memref<!tpu.dma_semaphore, #tpu.memory_space<semaphore_mem>>) src(%arg8 : memref<128x128xf32, #tpu.memory_space<vmem>>) dst(%dma_wait3A_55 : memref<128x128xf32, #tpu.memory_space<vmem_shared>>)
      %barrier3A = arith.constant 0 : index
      tpu.barrier barrier_id(%barrier3A)
      %mul3A_56 = arith.constant 80 : i32
      %mul3A_57 = arith.muli %arg1, %mul3A_56 : i32
      "tpu.region"() ({
        %run_scoped3A_103 = tpu.sem_alloc : memref<!tpu.dma_semaphore, #tpu.memory_space<semaphore_mem>>
        %dma_start3A_104 = arith.constant 0 : i32
        %dma_start3A_105 = tpu.memref_slice %arg3[%mul3A_57, %dma_start3A_104] : memref<1280x128xi32, #tpu.memory_space<hbm>> -> memref<40x128xi32, #tpu.memory_space<hbm>>
        %dma_start3A_106 = arith.constant 0 : i32
        %dma_start3A_107 = tpu.memref_slice %arg3[%mul3A_57, %dma_start3A_106] : memref<1280x128xi32, #tpu.memory_space<hbm>> -> memref<40x128xi32, #tpu.memory_space<hbm>>
        tpu.enqueue_dma source(%dma_start3A_107 : memref<40x128xi32, #tpu.memory_space<hbm>>) target(%arg6 : memref<40x128xi32, #tpu.memory_space<vmem>>) target_semaphore(%run_scoped3A_103 : memref<!tpu.dma_semaphore, #tpu.memory_space<semaphore_mem>>)
        %dma_wait3A_108 = arith.constant 0 : i32
        %dma_wait3A_109 = tpu.memref_slice %arg3[%mul3A_57, %dma_wait3A_108] : memref<1280x128xi32, #tpu.memory_space<hbm>> -> memref<40x128xi32, #tpu.memory_space<hbm>>
        %dma_wait3A_110 = arith.constant 0 : i32
        %dma_wait3A_111 = tpu.memref_slice %arg3[%mul3A_57, %dma_wait3A_110] : memref<1280x128xi32, #tpu.memory_space<hbm>> -> memref<40x128xi32, #tpu.memory_space<hbm>>
        tpu.wait_dma2 semaphore(%run_scoped3A_103 : memref<!tpu.dma_semaphore, #tpu.memory_space<semaphore_mem>>) src(%dma_wait3A_111 : memref<40x128xi32, #tpu.memory_space<hbm>>) dst(%arg6 : memref<40x128xi32, #tpu.memory_space<vmem>>)
        tpu.yield
      }) : () -> ()
      "tpu.region"() ({
        %run_scoped3A_103 = tpu.sem_alloc : memref<!tpu.dma_semaphore, #tpu.memory_space<semaphore_mem>>
        %dma_start3A_104 = arith.constant 0 : i32
        %dma_start3A_105 = tpu.memref_slice %arg4[%mul3A_57, %dma_start3A_104] : memref<1280x128xi32, #tpu.memory_space<hbm>> -> memref<40x128xi32, #tpu.memory_space<hbm>>
        %dma_start3A_106 = arith.constant 0 : i32
        %dma_start3A_107 = tpu.memref_slice %arg4[%mul3A_57, %dma_start3A_106] : memref<1280x128xi32, #tpu.memory_space<hbm>> -> memref<40x128xi32, #tpu.memory_space<hbm>>
        tpu.enqueue_dma source(%dma_start3A_107 : memref<40x128xi32, #tpu.memory_space<hbm>>) target(%arg7 : memref<40x128xi32, #tpu.memory_space<vmem>>) target_semaphore(%run_scoped3A_103 : memref<!tpu.dma_semaphore, #tpu.memory_space<semaphore_mem>>)
        %dma_wait3A_108 = arith.constant 0 : i32
        %dma_wait3A_109 = tpu.memref_slice %arg4[%mul3A_57, %dma_wait3A_108] : memref<1280x128xi32, #tpu.memory_space<hbm>> -> memref<40x128xi32, #tpu.memory_space<hbm>>
        %dma_wait3A_110 = arith.constant 0 : i32
        %dma_wait3A_111 = tpu.memref_slice %arg4[%mul3A_57, %dma_wait3A_110] : memref<1280x128xi32, #tpu.memory_space<hbm>> -> memref<40x128xi32, #tpu.memory_space<hbm>>
        tpu.wait_dma2 semaphore(%run_scoped3A_103 : memref<!tpu.dma_semaphore, #tpu.memory_space<semaphore_mem>>) src(%dma_wait3A_111 : memref<40x128xi32, #tpu.memory_space<hbm>>) dst(%arg7 : memref<40x128xi32, #tpu.memory_space<vmem>>)
        tpu.yield
      }) : () -> ()
      %dma_start3A_58 = arith.constant 0 : i32
      %dma_start3A_59 = arith.constant 0 : i32
      %dma_start3A_60 = tpu.memref_slice %arg6[%dma_start3A_58, %dma_start3A_59] : memref<40x128xi32, #tpu.memory_space<vmem>> -> memref<1x128xi32, #tpu.memory_space<vmem>>
      %dma_start3A_61 = tpu.memref_squeeze %dma_start3A_60 : memref<1x128xi32, #tpu.memory_space<vmem>> -> memref<128xi32, #tpu.memory_space<vmem>>
      %dma_start3A_62 = arith.constant 0 : i32
      %dma_start3A_63 = arith.constant 0 : i32
      %dma_start3A_64 = tpu.memref_slice %arg2[%dma_start3A_62, %dma_start3A_63] : memref<90000x128xf32, #tpu.memory_space<hbm>> -> memref<90000x128xf32, #tpu.memory_space<hbm>>
      tpu.enqueue_indirect_dma source(%dma_start3A_64 : memref<90000x128xf32, #tpu.memory_space<hbm>>) target(%arg8 : memref<128x128xf32, #tpu.memory_space<vmem>>) offsets(%dma_start3A_61 : memref<128xi32, #tpu.memory_space<vmem>>) semaphore(%arg11 : memref<!tpu.dma_semaphore, #tpu.memory_space<semaphore_mem>>)
      %dma_start3A_65 = arith.constant 1 : i32
      %dma_start3A_66 = arith.constant 0 : i32
      %dma_start3A_67 = tpu.memref_slice %arg6[%dma_start3A_65, %dma_start3A_66] : memref<40x128xi32, #tpu.memory_space<vmem>> -> memref<1x128xi32, #tpu.memory_space<vmem>>
      %dma_start3A_68 = tpu.memref_squeeze %dma_start3A_67 : memref<1x128xi32, #tpu.memory_space<vmem>> -> memref<128xi32, #tpu.memory_space<vmem>>
      %dma_start3A_69 = arith.constant 0 : i32
      %dma_start3A_70 = arith.constant 0 : i32
      %dma_start3A_71 = tpu.memref_slice %arg2[%dma_start3A_69, %dma_start3A_70] : memref<90000x128xf32, #tpu.memory_space<hbm>> -> memref<90000x128xf32, #tpu.memory_space<hbm>>
      tpu.enqueue_indirect_dma source(%dma_start3A_71 : memref<90000x128xf32, #tpu.memory_space<hbm>>) target(%arg9 : memref<128x128xf32, #tpu.memory_space<vmem>>) offsets(%dma_start3A_68 : memref<128xi32, #tpu.memory_space<vmem>>) semaphore(%arg12 : memref<!tpu.dma_semaphore, #tpu.memory_space<semaphore_mem>>)
      %scan3A_72 = arith.constant 0 : i32
      %scan3A_73 = arith.constant 0 : i32
      %scan3A_74 = arith.constant 20 : i32
      %scan3A_75 = arith.addi %scan3A_73, %scan3A_74 : i32
      %scan3A_76 = arith.constant 1 : i32
      scf.for %scan3A_103 = %scan3A_73 to %scan3A_75 step %scan3A_76  : i32 {
        %mul3A_104 = arith.constant 2 : i32
        %mul3A_105 = arith.muli %scan3A_103, %mul3A_104 : i32
        %dma_wait3A_106 = arith.constant 0 : i32
        %dma_wait3A_107 = arith.constant 0 : i32
        %dma_wait3A_108 = tpu.memref_slice %arg6[%dma_wait3A_106, %dma_wait3A_107] : memref<40x128xi32, #tpu.memory_space<vmem>> -> memref<1x128xi32, #tpu.memory_space<vmem>>
        %dma_wait3A_109 = tpu.memref_squeeze %dma_wait3A_108 : memref<1x128xi32, #tpu.memory_space<vmem>> -> memref<128xi32, #tpu.memory_space<vmem>>
        %dma_wait3A_110 = arith.constant 0 : i32
        %dma_wait3A_111 = arith.constant 0 : i32
        %dma_wait3A_112 = tpu.memref_slice %arg2[%dma_wait3A_110, %dma_wait3A_111] : memref<90000x128xf32, #tpu.memory_space<hbm>> -> memref<90000x128xf32, #tpu.memory_space<hbm>>
        tpu.wait_indirect_dma semaphore(%arg11 : memref<!tpu.dma_semaphore, #tpu.memory_space<semaphore_mem>>) src(%dma_wait3A_112 : memref<90000x128xf32, #tpu.memory_space<hbm>>) dst(%arg8 : memref<128x128xf32, #tpu.memory_space<vmem>>)
        %add3A_113 = arith.constant 0 : i32
        %add3A_114 = arith.addi %mul3A_105, %add3A_113 : i32
        %dma_start3A_115 = arith.constant 0 : i32
        %dma_start3A_116 = tpu.memref_slice %arg7[%add3A_114, %dma_start3A_115] : memref<40x128xi32, #tpu.memory_space<vmem>> -> memref<1x128xi32, #tpu.memory_space<vmem>>
        %dma_start3A_117 = tpu.memref_squeeze %dma_start3A_116 : memref<1x128xi32, #tpu.memory_space<vmem>> -> memref<128xi32, #tpu.memory_space<vmem>>
        %dma_start3A_118 = arith.constant 0 : i32
        %dma_start3A_119 = arith.constant 0 : i32
        %dma_start3A_120 = tpu.memref_slice %arg10[%dma_start3A_118, %dma_start3A_119] : memref<10240x128xf32, #tpu.memory_space<vmem_shared>> -> memref<10240x128xf32, #tpu.memory_space<vmem_shared>>
        tpu.enqueue_indirect_dma source(%arg8 : memref<128x128xf32, #tpu.memory_space<vmem>>) target(%dma_start3A_120 : memref<10240x128xf32, #tpu.memory_space<vmem_shared>>) offsets(%dma_start3A_117 : memref<128xi32, #tpu.memory_space<vmem>>) semaphore(%arg13 : memref<!tpu.dma_semaphore, #tpu.memory_space<semaphore_mem>>) {add = true}
        %dma_wait3A_121 = arith.constant 1 : i32
        %dma_wait3A_122 = arith.constant 0 : i32
        %dma_wait3A_123 = tpu.memref_slice %arg6[%dma_wait3A_121, %dma_wait3A_122] : memref<40x128xi32, #tpu.memory_space<vmem>> -> memref<1x128xi32, #tpu.memory_space<vmem>>
        %dma_wait3A_124 = tpu.memref_squeeze %dma_wait3A_123 : memref<1x128xi32, #tpu.memory_space<vmem>> -> memref<128xi32, #tpu.memory_space<vmem>>
        %dma_wait3A_125 = arith.constant 0 : i32
        %dma_wait3A_126 = arith.constant 0 : i32
        %dma_wait3A_127 = tpu.memref_slice %arg2[%dma_wait3A_125, %dma_wait3A_126] : memref<90000x128xf32, #tpu.memory_space<hbm>> -> memref<90000x128xf32, #tpu.memory_space<hbm>>
        tpu.wait_indirect_dma semaphore(%arg12 : memref<!tpu.dma_semaphore, #tpu.memory_space<semaphore_mem>>) src(%dma_wait3A_127 : memref<90000x128xf32, #tpu.memory_space<hbm>>) dst(%arg9 : memref<128x128xf32, #tpu.memory_space<vmem>>)
        %add3A_128 = arith.constant 1 : i32
        %add3A_129 = arith.addi %mul3A_105, %add3A_128 : i32
        %dma_start3A_130 = arith.constant 0 : i32
        %dma_start3A_131 = tpu.memref_slice %arg7[%add3A_129, %dma_start3A_130] : memref<40x128xi32, #tpu.memory_space<vmem>> -> memref<1x128xi32, #tpu.memory_space<vmem>>
        %dma_start3A_132 = tpu.memref_squeeze %dma_start3A_131 : memref<1x128xi32, #tpu.memory_space<vmem>> -> memref<128xi32, #tpu.memory_space<vmem>>
        %dma_start3A_133 = arith.constant 0 : i32
        %dma_start3A_134 = arith.constant 0 : i32
        %dma_start3A_135 = tpu.memref_slice %arg10[%dma_start3A_133, %dma_start3A_134] : memref<10240x128xf32, #tpu.memory_space<vmem_shared>> -> memref<10240x128xf32, #tpu.memory_space<vmem_shared>>
        tpu.enqueue_indirect_dma source(%arg9 : memref<128x128xf32, #tpu.memory_space<vmem>>) target(%dma_start3A_135 : memref<10240x128xf32, #tpu.memory_space<vmem_shared>>) offsets(%dma_start3A_132 : memref<128xi32, #tpu.memory_space<vmem>>) semaphore(%arg14 : memref<!tpu.dma_semaphore, #tpu.memory_space<semaphore_mem>>) {add = true}
        %dma_wait3A_136 = arith.constant 0 : i32
        %dma_wait3A_137 = arith.constant 0 : i32
        %dma_wait3A_138 = tpu.memref_slice %arg7[%dma_wait3A_136, %dma_wait3A_137] : memref<40x128xi32, #tpu.memory_space<vmem>> -> memref<1x128xi32, #tpu.memory_space<vmem>>
        %dma_wait3A_139 = tpu.memref_squeeze %dma_wait3A_138 : memref<1x128xi32, #tpu.memory_space<vmem>> -> memref<128xi32, #tpu.memory_space<vmem>>
        %dma_wait3A_140 = arith.constant 0 : i32
        %dma_wait3A_141 = arith.constant 0 : i32
        %dma_wait3A_142 = tpu.memref_slice %arg10[%dma_wait3A_140, %dma_wait3A_141] : memref<10240x128xf32, #tpu.memory_space<vmem_shared>> -> memref<10240x128xf32, #tpu.memory_space<vmem_shared>>
        tpu.wait_indirect_dma semaphore(%arg13 : memref<!tpu.dma_semaphore, #tpu.memory_space<semaphore_mem>>) src(%arg8 : memref<128x128xf32, #tpu.memory_space<vmem>>) dst(%dma_wait3A_142 : memref<10240x128xf32, #tpu.memory_space<vmem_shared>>)
        %add3A_143 = arith.constant 1 : i32
        %add3A_144 = arith.addi %scan3A_103, %add3A_143 : i32
        %lt3A = arith.constant 20 : i32
        %lt3A_145 = arith.cmpi slt, %add3A_144, %lt3A : i32
        %convert_element_type3A_146 = arith.extui %lt3A_145 : i1 to i32
        %cond3A_147 = arith.constant 0 : i32
        %cond3A_148 = arith.cmpi ne, %convert_element_type3A_146, %cond3A_147 : i32
        scf.if %cond3A_148 {
          %add3A_163 = arith.constant 2 : i32
          %add3A_164 = arith.addi %mul3A_105, %add3A_163 : i32
          %add3A_165 = arith.constant 0 : i32
          %add3A_166 = arith.addi %add3A_164, %add3A_165 : i32
          %dma_start3A_167 = arith.constant 0 : i32
          %dma_start3A_168 = tpu.memref_slice %arg6[%add3A_166, %dma_start3A_167] : memref<40x128xi32, #tpu.memory_space<vmem>> -> memref<1x128xi32, #tpu.memory_space<vmem>>
          %dma_start3A_169 = tpu.memref_squeeze %dma_start3A_168 : memref<1x128xi32, #tpu.memory_space<vmem>> -> memref<128xi32, #tpu.memory_space<vmem>>
          %dma_start3A_170 = arith.constant 0 : i32
          %dma_start3A_171 = arith.constant 0 : i32
          %dma_start3A_172 = tpu.memref_slice %arg2[%dma_start3A_170, %dma_start3A_171] : memref<90000x128xf32, #tpu.memory_space<hbm>> -> memref<90000x128xf32, #tpu.memory_space<hbm>>
          tpu.enqueue_indirect_dma source(%dma_start3A_172 : memref<90000x128xf32, #tpu.memory_space<hbm>>) target(%arg8 : memref<128x128xf32, #tpu.memory_space<vmem>>) offsets(%dma_start3A_169 : memref<128xi32, #tpu.memory_space<vmem>>) semaphore(%arg11 : memref<!tpu.dma_semaphore, #tpu.memory_space<semaphore_mem>>)
        } else {
        }
        %dma_wait3A_149 = arith.constant 1 : i32
        %dma_wait3A_150 = arith.constant 0 : i32
        %dma_wait3A_151 = tpu.memref_slice %arg7[%dma_wait3A_149, %dma_wait3A_150] : memref<40x128xi32, #tpu.memory_space<vmem>> -> memref<1x128xi32, #tpu.memory_space<vmem>>
        %dma_wait3A_152 = tpu.memref_squeeze %dma_wait3A_151 : memref<1x128xi32, #tpu.memory_space<vmem>> -> memref<128xi32, #tpu.memory_space<vmem>>
        %dma_wait3A_153 = arith.constant 0 : i32
        %dma_wait3A_154 = arith.constant 0 : i32
        %dma_wait3A_155 = tpu.memref_slice %arg10[%dma_wait3A_153, %dma_wait3A_154] : memref<10240x128xf32, #tpu.memory_space<vmem_shared>> -> memref<10240x128xf32, #tpu.memory_space<vmem_shared>>
        tpu.wait_indirect_dma semaphore(%arg14 : memref<!tpu.dma_semaphore, #tpu.memory_space<semaphore_mem>>) src(%arg9 : memref<128x128xf32, #tpu.memory_space<vmem>>) dst(%dma_wait3A_155 : memref<10240x128xf32, #tpu.memory_space<vmem_shared>>)
        %add3A_156 = arith.constant 1 : i32
        %add3A_157 = arith.addi %scan3A_103, %add3A_156 : i32
        %lt3A_158 = arith.constant 20 : i32
        %lt3A_159 = arith.cmpi slt, %add3A_157, %lt3A_158 : i32
        %convert_element_type3A_160 = arith.extui %lt3A_159 : i1 to i32
        %cond3A_161 = arith.constant 0 : i32
        %cond3A_162 = arith.cmpi ne, %convert_element_type3A_160, %cond3A_161 : i32
        scf.if %cond3A_162 {
          %add3A_163 = arith.constant 2 : i32
          %add3A_164 = arith.addi %mul3A_105, %add3A_163 : i32
          %add3A_165 = arith.constant 1 : i32
          %add3A_166 = arith.addi %add3A_164, %add3A_165 : i32
          %dma_start3A_167 = arith.constant 0 : i32
          %dma_start3A_168 = tpu.memref_slice %arg6[%add3A_166, %dma_start3A_167] : memref<40x128xi32, #tpu.memory_space<vmem>> -> memref<1x128xi32, #tpu.memory_space<vmem>>
          %dma_start3A_169 = tpu.memref_squeeze %dma_start3A_168 : memref<1x128xi32, #tpu.memory_space<vmem>> -> memref<128xi32, #tpu.memory_space<vmem>>
          %dma_start3A_170 = arith.constant 0 : i32
          %dma_start3A_171 = arith.constant 0 : i32
          %dma_start3A_172 = tpu.memref_slice %arg2[%dma_start3A_170, %dma_start3A_171] : memref<90000x128xf32, #tpu.memory_space<hbm>> -> memref<90000x128xf32, #tpu.memory_space<hbm>>
          tpu.enqueue_indirect_dma source(%dma_start3A_172 : memref<90000x128xf32, #tpu.memory_space<hbm>>) target(%arg9 : memref<128x128xf32, #tpu.memory_space<vmem>>) offsets(%dma_start3A_169 : memref<128xi32, #tpu.memory_space<vmem>>) semaphore(%arg12 : memref<!tpu.dma_semaphore, #tpu.memory_space<semaphore_mem>>)
        } else {
        }
      }
      %scan3A_77 = arith.constant 20 : i32
      %mul3A_78 = arith.constant 80 : i32
      %mul3A_79 = arith.muli %arg1, %mul3A_78 : i32
      %add3A_80 = arith.constant 40 : i32
      %add3A_81 = arith.addi %mul3A_79, %add3A_80 : i32
      "tpu.region"() ({
        %run_scoped3A_103 = tpu.sem_alloc : memref<!tpu.dma_semaphore, #tpu.memory_space<semaphore_mem>>
        %dma_start3A_104 = arith.constant 0 : i32
        %dma_start3A_105 = tpu.memref_slice %arg3[%add3A_81, %dma_start3A_104] : memref<1280x128xi32, #tpu.memory_space<hbm>> -> memref<40x128xi32, #tpu.memory_space<hbm>>
        %dma_start3A_106 = arith.constant 0 : i32
        %dma_start3A_107 = tpu.memref_slice %arg3[%add3A_81, %dma_start3A_106] : memref<1280x128xi32, #tpu.memory_space<hbm>> -> memref<40x128xi32, #tpu.memory_space<hbm>>
        tpu.enqueue_dma source(%dma_start3A_107 : memref<40x128xi32, #tpu.memory_space<hbm>>) target(%arg6 : memref<40x128xi32, #tpu.memory_space<vmem>>) target_semaphore(%run_scoped3A_103 : memref<!tpu.dma_semaphore, #tpu.memory_space<semaphore_mem>>)
        %dma_wait3A_108 = arith.constant 0 : i32
        %dma_wait3A_109 = tpu.memref_slice %arg3[%add3A_81, %dma_wait3A_108] : memref<1280x128xi32, #tpu.memory_space<hbm>> -> memref<40x128xi32, #tpu.memory_space<hbm>>
        %dma_wait3A_110 = arith.constant 0 : i32
        %dma_wait3A_111 = tpu.memref_slice %arg3[%add3A_81, %dma_wait3A_110] : memref<1280x128xi32, #tpu.memory_space<hbm>> -> memref<40x128xi32, #tpu.memory_space<hbm>>
        tpu.wait_dma2 semaphore(%run_scoped3A_103 : memref<!tpu.dma_semaphore, #tpu.memory_space<semaphore_mem>>) src(%dma_wait3A_111 : memref<40x128xi32, #tpu.memory_space<hbm>>) dst(%arg6 : memref<40x128xi32, #tpu.memory_space<vmem>>)
        tpu.yield
      }) : () -> ()
      "tpu.region"() ({
        %run_scoped3A_103 = tpu.sem_alloc : memref<!tpu.dma_semaphore, #tpu.memory_space<semaphore_mem>>
        %dma_start3A_104 = arith.constant 0 : i32
        %dma_start3A_105 = tpu.memref_slice %arg4[%add3A_81, %dma_start3A_104] : memref<1280x128xi32, #tpu.memory_space<hbm>> -> memref<40x128xi32, #tpu.memory_space<hbm>>
        %dma_start3A_106 = arith.constant 0 : i32
        %dma_start3A_107 = tpu.memref_slice %arg4[%add3A_81, %dma_start3A_106] : memref<1280x128xi32, #tpu.memory_space<hbm>> -> memref<40x128xi32, #tpu.memory_space<hbm>>
        tpu.enqueue_dma source(%dma_start3A_107 : memref<40x128xi32, #tpu.memory_space<hbm>>) target(%arg7 : memref<40x128xi32, #tpu.memory_space<vmem>>) target_semaphore(%run_scoped3A_103 : memref<!tpu.dma_semaphore, #tpu.memory_space<semaphore_mem>>)
        %dma_wait3A_108 = arith.constant 0 : i32
        %dma_wait3A_109 = tpu.memref_slice %arg4[%add3A_81, %dma_wait3A_108] : memref<1280x128xi32, #tpu.memory_space<hbm>> -> memref<40x128xi32, #tpu.memory_space<hbm>>
        %dma_wait3A_110 = arith.constant 0 : i32
        %dma_wait3A_111 = tpu.memref_slice %arg4[%add3A_81, %dma_wait3A_110] : memref<1280x128xi32, #tpu.memory_space<hbm>> -> memref<40x128xi32, #tpu.memory_space<hbm>>
        tpu.wait_dma2 semaphore(%run_scoped3A_103 : memref<!tpu.dma_semaphore, #tpu.memory_space<semaphore_mem>>) src(%dma_wait3A_111 : memref<40x128xi32, #tpu.memory_space<hbm>>) dst(%arg7 : memref<40x128xi32, #tpu.memory_space<vmem>>)
        tpu.yield
      }) : () -> ()
      %dma_start3A_82 = arith.constant 0 : i32
      %dma_start3A_83 = arith.constant 0 : i32
      %dma_start3A_84 = tpu.memref_slice %arg6[%dma_start3A_82, %dma_start3A_83] : memref<40x128xi32, #tpu.memory_space<vmem>> -> memref<1x128xi32, #tpu.memory_space<vmem>>
      %dma_start3A_85 = tpu.memref_squeeze %dma_start3A_84 : memref<1x128xi32, #tpu.memory_space<vmem>> -> memref<128xi32, #tpu.memory_space<vmem>>
      %dma_start3A_86 = arith.constant 0 : i32
      %dma_start3A_87 = arith.constant 0 : i32
      %dma_start3A_88 = tpu.memref_slice %arg2[%dma_start3A_86, %dma_start3A_87] : memref<90000x128xf32, #tpu.memory_space<hbm>> -> memref<90000x128xf32, #tpu.memory_space<hbm>>
      tpu.enqueue_indirect_dma source(%dma_start3A_88 : memref<90000x128xf32, #tpu.memory_space<hbm>>) target(%arg8 : memref<128x128xf32, #tpu.memory_space<vmem>>) offsets(%dma_start3A_85 : memref<128xi32, #tpu.memory_space<vmem>>) semaphore(%arg11 : memref<!tpu.dma_semaphore, #tpu.memory_space<semaphore_mem>>)
      %dma_start3A_89 = arith.constant 1 : i32
      %dma_start3A_90 = arith.constant 0 : i32
      %dma_start3A_91 = tpu.memref_slice %arg6[%dma_start3A_89, %dma_start3A_90] : memref<40x128xi32, #tpu.memory_space<vmem>> -> memref<1x128xi32, #tpu.memory_space<vmem>>
      %dma_start3A_92 = tpu.memref_squeeze %dma_start3A_91 : memref<1x128xi32, #tpu.memory_space<vmem>> -> memref<128xi32, #tpu.memory_space<vmem>>
      %dma_start3A_93 = arith.constant 0 : i32
      %dma_start3A_94 = arith.constant 0 : i32
      %dma_start3A_95 = tpu.memref_slice %arg2[%dma_start3A_93, %dma_start3A_94] : memref<90000x128xf32, #tpu.memory_space<hbm>> -> memref<90000x128xf32, #tpu.memory_space<hbm>>
      tpu.enqueue_indirect_dma source(%dma_start3A_95 : memref<90000x128xf32, #tpu.memory_space<hbm>>) target(%arg9 : memref<128x128xf32, #tpu.memory_space<vmem>>) offsets(%dma_start3A_92 : memref<128xi32, #tpu.memory_space<vmem>>) semaphore(%arg12 : memref<!tpu.dma_semaphore, #tpu.memory_space<semaphore_mem>>)
      %scan3A_96 = arith.constant 0 : i32
      %scan3A_97 = arith.constant 0 : i32
      %scan3A_98 = arith.constant 20 : i32
      %scan3A_99 = arith.addi %scan3A_97, %scan3A_98 : i32
      %scan3A_100 = arith.constant 1 : i32
      scf.for %scan3A_103 = %scan3A_97 to %scan3A_99 step %scan3A_100  : i32 {
        %mul3A_104 = arith.constant 2 : i32
        %mul3A_105 = arith.muli %scan3A_103, %mul3A_104 : i32
        %dma_wait3A_106 = arith.constant 0 : i32
        %dma_wait3A_107 = arith.constant 0 : i32
        %dma_wait3A_108 = tpu.memref_slice %arg6[%dma_wait3A_106, %dma_wait3A_107] : memref<40x128xi32, #tpu.memory_space<vmem>> -> memref<1x128xi32, #tpu.memory_space<vmem>>
        %dma_wait3A_109 = tpu.memref_squeeze %dma_wait3A_108 : memref<1x128xi32, #tpu.memory_space<vmem>> -> memref<128xi32, #tpu.memory_space<vmem>>
        %dma_wait3A_110 = arith.constant 0 : i32
        %dma_wait3A_111 = arith.constant 0 : i32
        %dma_wait3A_112 = tpu.memref_slice %arg2[%dma_wait3A_110, %dma_wait3A_111] : memref<90000x128xf32, #tpu.memory_space<hbm>> -> memref<90000x128xf32, #tpu.memory_space<hbm>>
        tpu.wait_indirect_dma semaphore(%arg11 : memref<!tpu.dma_semaphore, #tpu.memory_space<semaphore_mem>>) src(%dma_wait3A_112 : memref<90000x128xf32, #tpu.memory_space<hbm>>) dst(%arg8 : memref<128x128xf32, #tpu.memory_space<vmem>>)
        %add3A_113 = arith.constant 0 : i32
        %add3A_114 = arith.addi %mul3A_105, %add3A_113 : i32
        %dma_start3A_115 = arith.constant 0 : i32
        %dma_start3A_116 = tpu.memref_slice %arg7[%add3A_114, %dma_start3A_115] : memref<40x128xi32, #tpu.memory_space<vmem>> -> memref<1x128xi32, #tpu.memory_space<vmem>>
        %dma_start3A_117 = tpu.memref_squeeze %dma_start3A_116 : memref<1x128xi32, #tpu.memory_space<vmem>> -> memref<128xi32, #tpu.memory_space<vmem>>
        %dma_start3A_118 = arith.constant 0 : i32
        %dma_start3A_119 = arith.constant 0 : i32
        %dma_start3A_120 = tpu.memref_slice %arg10[%dma_start3A_118, %dma_start3A_119] : memref<10240x128xf32, #tpu.memory_space<vmem_shared>> -> memref<10240x128xf32, #tpu.memory_space<vmem_shared>>
        tpu.enqueue_indirect_dma source(%arg8 : memref<128x128xf32, #tpu.memory_space<vmem>>) target(%dma_start3A_120 : memref<10240x128xf32, #tpu.memory_space<vmem_shared>>) offsets(%dma_start3A_117 : memref<128xi32, #tpu.memory_space<vmem>>) semaphore(%arg13 : memref<!tpu.dma_semaphore, #tpu.memory_space<semaphore_mem>>) {add = true}
        %dma_wait3A_121 = arith.constant 1 : i32
        %dma_wait3A_122 = arith.constant 0 : i32
        %dma_wait3A_123 = tpu.memref_slice %arg6[%dma_wait3A_121, %dma_wait3A_122] : memref<40x128xi32, #tpu.memory_space<vmem>> -> memref<1x128xi32, #tpu.memory_space<vmem>>
        %dma_wait3A_124 = tpu.memref_squeeze %dma_wait3A_123 : memref<1x128xi32, #tpu.memory_space<vmem>> -> memref<128xi32, #tpu.memory_space<vmem>>
        %dma_wait3A_125 = arith.constant 0 : i32
        %dma_wait3A_126 = arith.constant 0 : i32
        %dma_wait3A_127 = tpu.memref_slice %arg2[%dma_wait3A_125, %dma_wait3A_126] : memref<90000x128xf32, #tpu.memory_space<hbm>> -> memref<90000x128xf32, #tpu.memory_space<hbm>>
        tpu.wait_indirect_dma semaphore(%arg12 : memref<!tpu.dma_semaphore, #tpu.memory_space<semaphore_mem>>) src(%dma_wait3A_127 : memref<90000x128xf32, #tpu.memory_space<hbm>>) dst(%arg9 : memref<128x128xf32, #tpu.memory_space<vmem>>)
        %add3A_128 = arith.constant 1 : i32
        %add3A_129 = arith.addi %mul3A_105, %add3A_128 : i32
        %dma_start3A_130 = arith.constant 0 : i32
        %dma_start3A_131 = tpu.memref_slice %arg7[%add3A_129, %dma_start3A_130] : memref<40x128xi32, #tpu.memory_space<vmem>> -> memref<1x128xi32, #tpu.memory_space<vmem>>
        %dma_start3A_132 = tpu.memref_squeeze %dma_start3A_131 : memref<1x128xi32, #tpu.memory_space<vmem>> -> memref<128xi32, #tpu.memory_space<vmem>>
        %dma_start3A_133 = arith.constant 0 : i32
        %dma_start3A_134 = arith.constant 0 : i32
        %dma_start3A_135 = tpu.memref_slice %arg10[%dma_start3A_133, %dma_start3A_134] : memref<10240x128xf32, #tpu.memory_space<vmem_shared>> -> memref<10240x128xf32, #tpu.memory_space<vmem_shared>>
        tpu.enqueue_indirect_dma source(%arg9 : memref<128x128xf32, #tpu.memory_space<vmem>>) target(%dma_start3A_135 : memref<10240x128xf32, #tpu.memory_space<vmem_shared>>) offsets(%dma_start3A_132 : memref<128xi32, #tpu.memory_space<vmem>>) semaphore(%arg14 : memref<!tpu.dma_semaphore, #tpu.memory_space<semaphore_mem>>) {add = true}
        %dma_wait3A_136 = arith.constant 0 : i32
        %dma_wait3A_137 = arith.constant 0 : i32
        %dma_wait3A_138 = tpu.memref_slice %arg7[%dma_wait3A_136, %dma_wait3A_137] : memref<40x128xi32, #tpu.memory_space<vmem>> -> memref<1x128xi32, #tpu.memory_space<vmem>>
        %dma_wait3A_139 = tpu.memref_squeeze %dma_wait3A_138 : memref<1x128xi32, #tpu.memory_space<vmem>> -> memref<128xi32, #tpu.memory_space<vmem>>
        %dma_wait3A_140 = arith.constant 0 : i32
        %dma_wait3A_141 = arith.constant 0 : i32
        %dma_wait3A_142 = tpu.memref_slice %arg10[%dma_wait3A_140, %dma_wait3A_141] : memref<10240x128xf32, #tpu.memory_space<vmem_shared>> -> memref<10240x128xf32, #tpu.memory_space<vmem_shared>>
        tpu.wait_indirect_dma semaphore(%arg13 : memref<!tpu.dma_semaphore, #tpu.memory_space<semaphore_mem>>) src(%arg8 : memref<128x128xf32, #tpu.memory_space<vmem>>) dst(%dma_wait3A_142 : memref<10240x128xf32, #tpu.memory_space<vmem_shared>>)
        %add3A_143 = arith.constant 1 : i32
        %add3A_144 = arith.addi %scan3A_103, %add3A_143 : i32
        %lt3A = arith.constant 20 : i32
        %lt3A_145 = arith.cmpi slt, %add3A_144, %lt3A : i32
        %convert_element_type3A_146 = arith.extui %lt3A_145 : i1 to i32
        %cond3A_147 = arith.constant 0 : i32
        %cond3A_148 = arith.cmpi ne, %convert_element_type3A_146, %cond3A_147 : i32
        scf.if %cond3A_148 {
          %add3A_163 = arith.constant 2 : i32
          %add3A_164 = arith.addi %mul3A_105, %add3A_163 : i32
          %add3A_165 = arith.constant 0 : i32
          %add3A_166 = arith.addi %add3A_164, %add3A_165 : i32
          %dma_start3A_167 = arith.constant 0 : i32
          %dma_start3A_168 = tpu.memref_slice %arg6[%add3A_166, %dma_start3A_167] : memref<40x128xi32, #tpu.memory_space<vmem>> -> memref<1x128xi32, #tpu.memory_space<vmem>>
          %dma_start3A_169 = tpu.memref_squeeze %dma_start3A_168 : memref<1x128xi32, #tpu.memory_space<vmem>> -> memref<128xi32, #tpu.memory_space<vmem>>
          %dma_start3A_170 = arith.constant 0 : i32
          %dma_start3A_171 = arith.constant 0 : i32
          %dma_start3A_172 = tpu.memref_slice %arg2[%dma_start3A_170, %dma_start3A_171] : memref<90000x128xf32, #tpu.memory_space<hbm>> -> memref<90000x128xf32, #tpu.memory_space<hbm>>
          tpu.enqueue_indirect_dma source(%dma_start3A_172 : memref<90000x128xf32, #tpu.memory_space<hbm>>) target(%arg8 : memref<128x128xf32, #tpu.memory_space<vmem>>) offsets(%dma_start3A_169 : memref<128xi32, #tpu.memory_space<vmem>>) semaphore(%arg11 : memref<!tpu.dma_semaphore, #tpu.memory_space<semaphore_mem>>)
        } else {
        }
        %dma_wait3A_149 = arith.constant 1 : i32
        %dma_wait3A_150 = arith.constant 0 : i32
        %dma_wait3A_151 = tpu.memref_slice %arg7[%dma_wait3A_149, %dma_wait3A_150] : memref<40x128xi32, #tpu.memory_space<vmem>> -> memref<1x128xi32, #tpu.memory_space<vmem>>
        %dma_wait3A_152 = tpu.memref_squeeze %dma_wait3A_151 : memref<1x128xi32, #tpu.memory_space<vmem>> -> memref<128xi32, #tpu.memory_space<vmem>>
        %dma_wait3A_153 = arith.constant 0 : i32
        %dma_wait3A_154 = arith.constant 0 : i32
        %dma_wait3A_155 = tpu.memref_slice %arg10[%dma_wait3A_153, %dma_wait3A_154] : memref<10240x128xf32, #tpu.memory_space<vmem_shared>> -> memref<10240x128xf32, #tpu.memory_space<vmem_shared>>
        tpu.wait_indirect_dma semaphore(%arg14 : memref<!tpu.dma_semaphore, #tpu.memory_space<semaphore_mem>>) src(%arg9 : memref<128x128xf32, #tpu.memory_space<vmem>>) dst(%dma_wait3A_155 : memref<10240x128xf32, #tpu.memory_space<vmem_shared>>)
        %add3A_156 = arith.constant 1 : i32
        %add3A_157 = arith.addi %scan3A_103, %add3A_156 : i32
        %lt3A_158 = arith.constant 20 : i32
        %lt3A_159 = arith.cmpi slt, %add3A_157, %lt3A_158 : i32
        %convert_element_type3A_160 = arith.extui %lt3A_159 : i1 to i32
        %cond3A_161 = arith.constant 0 : i32
        %cond3A_162 = arith.cmpi ne, %convert_element_type3A_160, %cond3A_161 : i32
        scf.if %cond3A_162 {
          %add3A_163 = arith.constant 2 : i32
          %add3A_164 = arith.addi %mul3A_105, %add3A_163 : i32
          %add3A_165 = arith.constant 1 : i32
          %add3A_166 = arith.addi %add3A_164, %add3A_165 : i32
          %dma_start3A_167 = arith.constant 0 : i32
          %dma_start3A_168 = tpu.memref_slice %arg6[%add3A_166, %dma_start3A_167] : memref<40x128xi32, #tpu.memory_space<vmem>> -> memref<1x128xi32, #tpu.memory_space<vmem>>
          %dma_start3A_169 = tpu.memref_squeeze %dma_start3A_168 : memref<1x128xi32, #tpu.memory_space<vmem>> -> memref<128xi32, #tpu.memory_space<vmem>>
          %dma_start3A_170 = arith.constant 0 : i32
          %dma_start3A_171 = arith.constant 0 : i32
          %dma_start3A_172 = tpu.memref_slice %arg2[%dma_start3A_170, %dma_start3A_171] : memref<90000x128xf32, #tpu.memory_space<hbm>> -> memref<90000x128xf32, #tpu.memory_space<hbm>>
          tpu.enqueue_indirect_dma source(%dma_start3A_172 : memref<90000x128xf32, #tpu.memory_space<hbm>>) target(%arg9 : memref<128x128xf32, #tpu.memory_space<vmem>>) offsets(%dma_start3A_169 : memref<128xi32, #tpu.memory_space<vmem>>) semaphore(%arg12 : memref<!tpu.dma_semaphore, #tpu.memory_space<semaphore_mem>>)
        } else {
        }
      }
      %scan3A_101 = arith.constant 20 : i32
      %barrier3A_102 = arith.constant 0 : index
      tpu.barrier barrier_id(%barrier3A_102)
      %run_scoped3A = arith.constant 0 : i32
      "tpu.region"() ({
        %run_scoped3A_103 = tpu.sem_alloc : memref<!tpu.dma_semaphore, #tpu.memory_space<semaphore_mem>>
        %dma_start3A_104 = arith.constant 0 : i32
        %dma_start3A_105 = tpu.memref_slice %arg5[%run_scoped3A, %multiple_of3A, %dma_start3A_104] : memref<1x10240x128xf32, #tpu.memory_space<hbm>> -> memref<1x640x128xf32, #tpu.memory_space<hbm>>
        %dma_start3A_106 = tpu.memref_squeeze %dma_start3A_105 : memref<1x640x128xf32, #tpu.memory_space<hbm>> -> memref<640x128xf32, #tpu.memory_space<hbm>>
        %dma_start3A_107 = arith.constant 0 : i32
        %dma_start3A_108 = tpu.memref_slice %arg10[%multiple_of3A, %dma_start3A_107] : memref<10240x128xf32, #tpu.memory_space<vmem_shared>> -> memref<640x128xf32, #tpu.memory_space<vmem_shared>>
        tpu.enqueue_dma source(%dma_start3A_108 : memref<640x128xf32, #tpu.memory_space<vmem_shared>>) target(%dma_start3A_106 : memref<640x128xf32, #tpu.memory_space<hbm>>) target_semaphore(%run_scoped3A_103 : memref<!tpu.dma_semaphore, #tpu.memory_space<semaphore_mem>>)
        %dma_wait3A_109 = arith.constant 0 : i32
        %dma_wait3A_110 = tpu.memref_slice %arg5[%run_scoped3A, %multiple_of3A, %dma_wait3A_109] : memref<1x10240x128xf32, #tpu.memory_space<hbm>> -> memref<1x640x128xf32, #tpu.memory_space<hbm>>
        %dma_wait3A_111 = tpu.memref_squeeze %dma_wait3A_110 : memref<1x640x128xf32, #tpu.memory_space<hbm>> -> memref<640x128xf32, #tpu.memory_space<hbm>>
        %dma_wait3A_112 = arith.constant 0 : i32
        %dma_wait3A_113 = tpu.memref_slice %arg10[%multiple_of3A, %dma_wait3A_112] : memref<10240x128xf32, #tpu.memory_space<vmem_shared>> -> memref<640x128xf32, #tpu.memory_space<vmem_shared>>
        tpu.wait_dma2 semaphore(%run_scoped3A_103 : memref<!tpu.dma_semaphore, #tpu.memory_space<semaphore_mem>>) src(%dma_wait3A_113 : memref<640x128xf32, #tpu.memory_space<vmem_shared>>) dst(%dma_wait3A_111 : memref<640x128xf32, #tpu.memory_space<hbm>>)
        tpu.yield
      }) : () -> ()
    } else {
    }
    return
  }
}

#map = affine_map<(d0, d1) -> (0, 0)>
#map1 = affine_map<(d0, d1) -> (0, 0, 0)>
module attributes {stable_mosaic.version = 14 : i64} {
  func.func @_sc_scatter(%arg0: i32, %arg1: i32, %arg2: memref<90000x128xf32, #tpu.memory_space<hbm>>, %arg3: memref<1280x128xi32, #tpu.memory_space<hbm>>, %arg4: memref<1280x128xi32, #tpu.memory_space<hbm>>, %arg5: memref<1x10240x128xf32, #tpu.memory_space<hbm>>, %arg6: memref<40x128xi32, #tpu.memory_space<vmem>>, %arg7: memref<40x128xi32, #tpu.memory_space<vmem>>, %arg8: memref<128x128xf32, #tpu.memory_space<vmem>>, %arg9: memref<128x128xf32, #tpu.memory_space<vmem>>, %arg10: memref<10240x128xf32, #tpu.memory_space<vmem_shared>>, %arg11: memref<!tpu.dma_semaphore, #tpu.memory_space<semaphore_mem>>, %arg12: memref<!tpu.dma_semaphore, #tpu.memory_space<semaphore_mem>>, %arg13: memref<!tpu.dma_semaphore, #tpu.memory_space<semaphore_mem>>, %arg14: memref<!tpu.dma_semaphore, #tpu.memory_space<semaphore_mem>>) attributes {dimension_semantics = [#tpu.dimension_semantics<core_parallel>, #tpu.dimension_semantics<subcore_parallel>], iteration_bounds = array<i64: 2, 16>, scalar_prefetch = 0 : i64, scratch_operands = 9 : i64, tpu.core_type = #tpu.core_type<sc_vector_subcore>, window_params = [{transform_indices = #map}, {transform_indices = #map}, {transform_indices = #map}, {transform_indices = #map1}]} {
    %eq3A = arith.constant 0 : i32
    %eq3A_0 = arith.cmpi eq, %arg0, %eq3A : i32
    %convert_element_type3A = arith.extui %eq3A_0 : i1 to i32
    %cond3A = arith.constant 0 : i32
    %cond3A_1 = arith.cmpi ne, %convert_element_type3A, %cond3A : i32
    scf.if %cond3A_1 {
      %broadcast_in_dim3A = arith.constant 0.000000e+00 : f32
      %broadcast_in_dim3A_2 = vector.broadcast %broadcast_in_dim3A : f32 to vector<16xf32>
      %scan3A = arith.constant 0 : i32
      %scan3A_3 = arith.constant 0 : i32
      %scan3A_4 = arith.constant 128 : i32
      %scan3A_5 = arith.addi %scan3A_3, %scan3A_4 : i32
      %scan3A_6 = arith.constant 1 : i32
      scf.for %scan3A_103 = %scan3A_3 to %scan3A_5 step %scan3A_6  : i32 {
        %swap3A = arith.index_cast %scan3A_103 : i32 to index
        %swap3A_104 = arith.constant 0 : index
        %swap3A_105 = tpu.vector_load %arg8[%swap3A, %swap3A_104] {strides = array<i32>} : memref<128x128xf32, #tpu.memory_space<vmem>>, vector<1x16xf32>,
        %swap3A_106 = vector.shape_cast %swap3A_105 : vector<1x16xf32> to vector<16xf32>
        %swap3A_107 = vector.shape_cast %broadcast_in_dim3A_2 : vector<16xf32> to vector<1x16xf32>
        tpu.vector_store %arg8[%swap3A, %swap3A_104], %swap3A_107 {strides = array<i32>} : memref<128x128xf32, #tpu.memory_space<vmem>>, vector<1x16xf32>,
        %swap3A_108 = arith.index_cast %scan3A_103 : i32 to index
        %swap3A_109 = arith.constant 16 : index
        %swap3A_110 = tpu.vector_load %arg8[%swap3A_108, %swap3A_109] {strides = array<i32>} : memref<128x128xf32, #tpu.memory_space<vmem>>, vector<1x16xf32>,
        %swap3A_111 = vector.shape_cast %swap3A_110 : vector<1x16xf32> to vector<16xf32>
        %swap3A_112 = vector.shape_cast %broadcast_in_dim3A_2 : vector<16xf32> to vector<1x16xf32>
        tpu.vector_store %arg8[%swap3A_108, %swap3A_109], %swap3A_112 {strides = array<i32>} : memref<128x128xf32, #tpu.memory_space<vmem>>, vector<1x16xf32>,
        %swap3A_113 = arith.index_cast %scan3A_103 : i32 to index
        %swap3A_114 = arith.constant 32 : index
        %swap3A_115 = tpu.vector_load %arg8[%swap3A_113, %swap3A_114] {strides = array<i32>} : memref<128x128xf32, #tpu.memory_space<vmem>>, vector<1x16xf32>,
        %swap3A_116 = vector.shape_cast %swap3A_115 : vector<1x16xf32> to vector<16xf32>
        %swap3A_117 = vector.shape_cast %broadcast_in_dim3A_2 : vector<16xf32> to vector<1x16xf32>
        tpu.vector_store %arg8[%swap3A_113, %swap3A_114], %swap3A_117 {strides = array<i32>} : memref<128x128xf32, #tpu.memory_space<vmem>>, vector<1x16xf32>,
        %swap3A_118 = arith.index_cast %scan3A_103 : i32 to index
        %swap3A_119 = arith.constant 48 : index
        %swap3A_120 = tpu.vector_load %arg8[%swap3A_118, %swap3A_119] {strides = array<i32>} : memref<128x128xf32, #tpu.memory_space<vmem>>, vector<1x16xf32>,
        %swap3A_121 = vector.shape_cast %swap3A_120 : vector<1x16xf32> to vector<16xf32>
        %swap3A_122 = vector.shape_cast %broadcast_in_dim3A_2 : vector<16xf32> to vector<1x16xf32>
        tpu.vector_store %arg8[%swap3A_118, %swap3A_119], %swap3A_122 {strides = array<i32>} : memref<128x128xf32, #tpu.memory_space<vmem>>, vector<1x16xf32>,
        %swap3A_123 = arith.index_cast %scan3A_103 : i32 to index
        %swap3A_124 = arith.constant 64 : index
        %swap3A_125 = tpu.vector_load %arg8[%swap3A_123, %swap3A_124] {strides = array<i32>} : memref<128x128xf32, #tpu.memory_space<vmem>>, vector<1x16xf32>,
        %swap3A_126 = vector.shape_cast %swap3A_125 : vector<1x16xf32> to vector<16xf32>
        %swap3A_127 = vector.shape_cast %broadcast_in_dim3A_2 : vector<16xf32> to vector<1x16xf32>
        tpu.vector_store %arg8[%swap3A_123, %swap3A_124], %swap3A_127 {strides = array<i32>} : memref<128x128xf32, #tpu.memory_space<vmem>>, vector<1x16xf32>,
        %swap3A_128 = arith.index_cast %scan3A_103 : i32 to index
        %swap3A_129 = arith.constant 80 : index
        %swap3A_130 = tpu.vector_load %arg8[%swap3A_128, %swap3A_129] {strides = array<i32>} : memref<128x128xf32, #tpu.memory_space<vmem>>, vector<1x16xf32>,
        %swap3A_131 = vector.shape_cast %swap3A_130 : vector<1x16xf32> to vector<16xf32>
        %swap3A_132 = vector.shape_cast %broadcast_in_dim3A_2 : vector<16xf32> to vector<1x16xf32>
        tpu.vector_store %arg8[%swap3A_128, %swap3A_129], %swap3A_132 {strides = array<i32>} : memref<128x128xf32, #tpu.memory_space<vmem>>, vector<1x16xf32>,
        %swap3A_133 = arith.index_cast %scan3A_103 : i32 to index
        %swap3A_134 = arith.constant 96 : index
        %swap3A_135 = tpu.vector_load %arg8[%swap3A_133, %swap3A_134] {strides = array<i32>} : memref<128x128xf32, #tpu.memory_space<vmem>>, vector<1x16xf32>,
        %swap3A_136 = vector.shape_cast %swap3A_135 : vector<1x16xf32> to vector<16xf32>
        %swap3A_137 = vector.shape_cast %broadcast_in_dim3A_2 : vector<16xf32> to vector<1x16xf32>
        tpu.vector_store %arg8[%swap3A_133, %swap3A_134], %swap3A_137 {strides = array<i32>} : memref<128x128xf32, #tpu.memory_space<vmem>>, vector<1x16xf32>,
        %swap3A_138 = arith.index_cast %scan3A_103 : i32 to index
        %swap3A_139 = arith.constant 112 : index
        %swap3A_140 = tpu.vector_load %arg8[%swap3A_138, %swap3A_139] {strides = array<i32>} : memref<128x128xf32, #tpu.memory_space<vmem>>, vector<1x16xf32>,
        %swap3A_141 = vector.shape_cast %swap3A_140 : vector<1x16xf32> to vector<16xf32>
        %swap3A_142 = vector.shape_cast %broadcast_in_dim3A_2 : vector<16xf32> to vector<1x16xf32>
        tpu.vector_store %arg8[%swap3A_138, %swap3A_139], %swap3A_142 {strides = array<i32>} : memref<128x128xf32, #tpu.memory_space<vmem>>, vector<1x16xf32>,
      }
      %scan3A_7 = arith.constant 128 : i32
      %mul3A = arith.constant 640 : i32
      %mul3A_8 = arith.muli %arg1, %mul3A : i32
      %multiple_of3A = tpu.assume_multiple %mul3A_8, 640 : i32
      %add3A = arith.constant 0 : i32
      %add3A_9 = arith.addi %multiple_of3A, %add3A : i32
      %dma_start3A = arith.constant 0 : i32
      %dma_start3A_10 = tpu.memref_slice %arg10[%add3A_9, %dma_start3A] : memref<10240x128xf32, #tpu.memory_space<vmem_shared>> -> memref<128x128xf32, #tpu.memory_space<vmem_shared>>
      %dma_start3A_11 = arith.constant 0 : i32
      %dma_start3A_12 = tpu.memref_slice %arg10[%add3A_9, %dma_start3A_11] : memref<10240x128xf32, #tpu.memory_space<vmem_shared>> -> memref<128x128xf32, #tpu.memory_space<vmem_shared>>
      tpu.enqueue_dma source(%arg8 : memref<128x128xf32, #tpu.memory_space<vmem>>) target(%dma_start3A_12 : memref<128x128xf32, #tpu.memory_space<vmem_shared>>) target_semaphore(%arg13 : memref<!tpu.dma_semaphore, #tpu.memory_space<semaphore_mem>>)
      %add3A_13 = arith.constant 128 : i32
      %add3A_14 = arith.addi %multiple_of3A, %add3A_13 : i32
      %dma_start3A_15 = arith.constant 0 : i32
      %dma_start3A_16 = tpu.memref_slice %arg10[%add3A_14, %dma_start3A_15] : memref<10240x128xf32, #tpu.memory_space<vmem_shared>> -> memref<128x128xf32, #tpu.memory_space<vmem_shared>>
      %dma_start3A_17 = arith.constant 0 : i32
      %dma_start3A_18 = tpu.memref_slice %arg10[%add3A_14, %dma_start3A_17] : memref<10240x128xf32, #tpu.memory_space<vmem_shared>> -> memref<128x128xf32, #tpu.memory_space<vmem_shared>>
      tpu.enqueue_dma source(%arg8 : memref<128x128xf32, #tpu.memory_space<vmem>>) target(%dma_start3A_18 : memref<128x128xf32, #tpu.memory_space<vmem_shared>>) target_semaphore(%arg13 : memref<!tpu.dma_semaphore, #tpu.memory_space<semaphore_mem>>)
      %add3A_19 = arith.constant 256 : i32
      %add3A_20 = arith.addi %multiple_of3A, %add3A_19 : i32
      %dma_start3A_21 = arith.constant 0 : i32
      %dma_start3A_22 = tpu.memref_slice %arg10[%add3A_20, %dma_start3A_21] : memref<10240x128xf32, #tpu.memory_space<vmem_shared>> -> memref<128x128xf32, #tpu.memory_space<vmem_shared>>
      %dma_start3A_23 = arith.constant 0 : i32
      %dma_start3A_24 = tpu.memref_slice %arg10[%add3A_20, %dma_start3A_23] : memref<10240x128xf32, #tpu.memory_space<vmem_shared>> -> memref<128x128xf32, #tpu.memory_space<vmem_shared>>
      tpu.enqueue_dma source(%arg8 : memref<128x128xf32, #tpu.memory_space<vmem>>) target(%dma_start3A_24 : memref<128x128xf32, #tpu.memory_space<vmem_shared>>) target_semaphore(%arg13 : memref<!tpu.dma_semaphore, #tpu.memory_space<semaphore_mem>>)
      %add3A_25 = arith.constant 384 : i32
      %add3A_26 = arith.addi %multiple_of3A, %add3A_25 : i32
      %dma_start3A_27 = arith.constant 0 : i32
      %dma_start3A_28 = tpu.memref_slice %arg10[%add3A_26, %dma_start3A_27] : memref<10240x128xf32, #tpu.memory_space<vmem_shared>> -> memref<128x128xf32, #tpu.memory_space<vmem_shared>>
      %dma_start3A_29 = arith.constant 0 : i32
      %dma_start3A_30 = tpu.memref_slice %arg10[%add3A_26, %dma_start3A_29] : memref<10240x128xf32, #tpu.memory_space<vmem_shared>> -> memref<128x128xf32, #tpu.memory_space<vmem_shared>>
      tpu.enqueue_dma source(%arg8 : memref<128x128xf32, #tpu.memory_space<vmem>>) target(%dma_start3A_30 : memref<128x128xf32, #tpu.memory_space<vmem_shared>>) target_semaphore(%arg13 : memref<!tpu.dma_semaphore, #tpu.memory_space<semaphore_mem>>)
      %add3A_31 = arith.constant 512 : i32
      %add3A_32 = arith.addi %multiple_of3A, %add3A_31 : i32
      %dma_start3A_33 = arith.constant 0 : i32
      %dma_start3A_34 = tpu.memref_slice %arg10[%add3A_32, %dma_start3A_33] : memref<10240x128xf32, #tpu.memory_space<vmem_shared>> -> memref<128x128xf32, #tpu.memory_space<vmem_shared>>
      %dma_start3A_35 = arith.constant 0 : i32
      %dma_start3A_36 = tpu.memref_slice %arg10[%add3A_32, %dma_start3A_35] : memref<10240x128xf32, #tpu.memory_space<vmem_shared>> -> memref<128x128xf32, #tpu.memory_space<vmem_shared>>
      tpu.enqueue_dma source(%arg8 : memref<128x128xf32, #tpu.memory_space<vmem>>) target(%dma_start3A_36 : memref<128x128xf32, #tpu.memory_space<vmem_shared>>) target_semaphore(%arg13 : memref<!tpu.dma_semaphore, #tpu.memory_space<semaphore_mem>>)
      %dma_wait3A = arith.constant 0 : i32
      %dma_wait3A_37 = tpu.memref_slice %arg10[%multiple_of3A, %dma_wait3A] : memref<10240x128xf32, #tpu.memory_space<vmem_shared>> -> memref<128x128xf32, #tpu.memory_space<vmem_shared>>
      %dma_wait3A_38 = arith.constant 0 : i32
      %dma_wait3A_39 = tpu.memref_slice %arg10[%multiple_of3A, %dma_wait3A_38] : memref<10240x128xf32, #tpu.memory_space<vmem_shared>> -> memref<128x128xf32, #tpu.memory_space<vmem_shared>>
      tpu.wait_dma2 semaphore(%arg13 : memref<!tpu.dma_semaphore, #tpu.memory_space<semaphore_mem>>) src(%arg8 : memref<128x128xf32, #tpu.memory_space<vmem>>) dst(%dma_wait3A_39 : memref<128x128xf32, #tpu.memory_space<vmem_shared>>)
      %dma_wait3A_40 = arith.constant 0 : i32
      %dma_wait3A_41 = tpu.memref_slice %arg10[%multiple_of3A, %dma_wait3A_40] : memref<10240x128xf32, #tpu.memory_space<vmem_shared>> -> memref<128x128xf32, #tpu.memory_space<vmem_shared>>
      %dma_wait3A_42 = arith.constant 0 : i32
      %dma_wait3A_43 = tpu.memref_slice %arg10[%multiple_of3A, %dma_wait3A_42] : memref<10240x128xf32, #tpu.memory_space<vmem_shared>> -> memref<128x128xf32, #tpu.memory_space<vmem_shared>>
      tpu.wait_dma2 semaphore(%arg13 : memref<!tpu.dma_semaphore, #tpu.memory_space<semaphore_mem>>) src(%arg8 : memref<128x128xf32, #tpu.memory_space<vmem>>) dst(%dma_wait3A_43 : memref<128x128xf32, #tpu.memory_space<vmem_shared>>)
      %dma_wait3A_44 = arith.constant 0 : i32
      %dma_wait3A_45 = tpu.memref_slice %arg10[%multiple_of3A, %dma_wait3A_44] : memref<10240x128xf32, #tpu.memory_space<vmem_shared>> -> memref<128x128xf32, #tpu.memory_space<vmem_shared>>
      %dma_wait3A_46 = arith.constant 0 : i32
      %dma_wait3A_47 = tpu.memref_slice %arg10[%multiple_of3A, %dma_wait3A_46] : memref<10240x128xf32, #tpu.memory_space<vmem_shared>> -> memref<128x128xf32, #tpu.memory_space<vmem_shared>>
      tpu.wait_dma2 semaphore(%arg13 : memref<!tpu.dma_semaphore, #tpu.memory_space<semaphore_mem>>) src(%arg8 : memref<128x128xf32, #tpu.memory_space<vmem>>) dst(%dma_wait3A_47 : memref<128x128xf32, #tpu.memory_space<vmem_shared>>)
      %dma_wait3A_48 = arith.constant 0 : i32
      %dma_wait3A_49 = tpu.memref_slice %arg10[%multiple_of3A, %dma_wait3A_48] : memref<10240x128xf32, #tpu.memory_space<vmem_shared>> -> memref<128x128xf32, #tpu.memory_space<vmem_shared>>
      %dma_wait3A_50 = arith.constant 0 : i32
      %dma_wait3A_51 = tpu.memref_slice %arg10[%multiple_of3A, %dma_wait3A_50] : memref<10240x128xf32, #tpu.memory_space<vmem_shared>> -> memref<128x128xf32, #tpu.memory_space<vmem_shared>>
      tpu.wait_dma2 semaphore(%arg13 : memref<!tpu.dma_semaphore, #tpu.memory_space<semaphore_mem>>) src(%arg8 : memref<128x128xf32, #tpu.memory_space<vmem>>) dst(%dma_wait3A_51 : memref<128x128xf32, #tpu.memory_space<vmem_shared>>)
      %dma_wait3A_52 = arith.constant 0 : i32
      %dma_wait3A_53 = tpu.memref_slice %arg10[%multiple_of3A, %dma_wait3A_52] : memref<10240x128xf32, #tpu.memory_space<vmem_shared>> -> memref<128x128xf32, #tpu.memory_space<vmem_shared>>
      %dma_wait3A_54 = arith.constant 0 : i32
      %dma_wait3A_55 = tpu.memref_slice %arg10[%multiple_of3A, %dma_wait3A_54] : memref<10240x128xf32, #tpu.memory_space<vmem_shared>> -> memref<128x128xf32, #tpu.memory_space<vmem_shared>>
      tpu.wait_dma2 semaphore(%arg13 : memref<!tpu.dma_semaphore, #tpu.memory_space<semaphore_mem>>) src(%arg8 : memref<128x128xf32, #tpu.memory_space<vmem>>) dst(%dma_wait3A_55 : memref<128x128xf32, #tpu.memory_space<vmem_shared>>)
      %barrier3A = arith.constant 0 : index
      tpu.barrier barrier_id(%barrier3A)
      %mul3A_56 = arith.constant 80 : i32
      %mul3A_57 = arith.muli %arg1, %mul3A_56 : i32
      "tpu.region"() ({
        %run_scoped3A_103 = tpu.sem_alloc : memref<!tpu.dma_semaphore, #tpu.memory_space<semaphore_mem>>
        %dma_start3A_104 = arith.constant 0 : i32
        %dma_start3A_105 = tpu.memref_slice %arg3[%mul3A_57, %dma_start3A_104] : memref<1280x128xi32, #tpu.memory_space<hbm>> -> memref<40x128xi32, #tpu.memory_space<hbm>>
        %dma_start3A_106 = arith.constant 0 : i32
        %dma_start3A_107 = tpu.memref_slice %arg3[%mul3A_57, %dma_start3A_106] : memref<1280x128xi32, #tpu.memory_space<hbm>> -> memref<40x128xi32, #tpu.memory_space<hbm>>
        tpu.enqueue_dma source(%dma_start3A_107 : memref<40x128xi32, #tpu.memory_space<hbm>>) target(%arg6 : memref<40x128xi32, #tpu.memory_space<vmem>>) target_semaphore(%run_scoped3A_103 : memref<!tpu.dma_semaphore, #tpu.memory_space<semaphore_mem>>)
        %dma_wait3A_108 = arith.constant 0 : i32
        %dma_wait3A_109 = tpu.memref_slice %arg3[%mul3A_57, %dma_wait3A_108] : memref<1280x128xi32, #tpu.memory_space<hbm>> -> memref<40x128xi32, #tpu.memory_space<hbm>>
        %dma_wait3A_110 = arith.constant 0 : i32
        %dma_wait3A_111 = tpu.memref_slice %arg3[%mul3A_57, %dma_wait3A_110] : memref<1280x128xi32, #tpu.memory_space<hbm>> -> memref<40x128xi32, #tpu.memory_space<hbm>>
        tpu.wait_dma2 semaphore(%run_scoped3A_103 : memref<!tpu.dma_semaphore, #tpu.memory_space<semaphore_mem>>) src(%dma_wait3A_111 : memref<40x128xi32, #tpu.memory_space<hbm>>) dst(%arg6 : memref<40x128xi32, #tpu.memory_space<vmem>>)
        tpu.yield
      }) : () -> ()
      "tpu.region"() ({
        %run_scoped3A_103 = tpu.sem_alloc : memref<!tpu.dma_semaphore, #tpu.memory_space<semaphore_mem>>
        %dma_start3A_104 = arith.constant 0 : i32
        %dma_start3A_105 = tpu.memref_slice %arg4[%mul3A_57, %dma_start3A_104] : memref<1280x128xi32, #tpu.memory_space<hbm>> -> memref<40x128xi32, #tpu.memory_space<hbm>>
        %dma_start3A_106 = arith.constant 0 : i32
        %dma_start3A_107 = tpu.memref_slice %arg4[%mul3A_57, %dma_start3A_106] : memref<1280x128xi32, #tpu.memory_space<hbm>> -> memref<40x128xi32, #tpu.memory_space<hbm>>
        tpu.enqueue_dma source(%dma_start3A_107 : memref<40x128xi32, #tpu.memory_space<hbm>>) target(%arg7 : memref<40x128xi32, #tpu.memory_space<vmem>>) target_semaphore(%run_scoped3A_103 : memref<!tpu.dma_semaphore, #tpu.memory_space<semaphore_mem>>)
        %dma_wait3A_108 = arith.constant 0 : i32
        %dma_wait3A_109 = tpu.memref_slice %arg4[%mul3A_57, %dma_wait3A_108] : memref<1280x128xi32, #tpu.memory_space<hbm>> -> memref<40x128xi32, #tpu.memory_space<hbm>>
        %dma_wait3A_110 = arith.constant 0 : i32
        %dma_wait3A_111 = tpu.memref_slice %arg4[%mul3A_57, %dma_wait3A_110] : memref<1280x128xi32, #tpu.memory_space<hbm>> -> memref<40x128xi32, #tpu.memory_space<hbm>>
        tpu.wait_dma2 semaphore(%run_scoped3A_103 : memref<!tpu.dma_semaphore, #tpu.memory_space<semaphore_mem>>) src(%dma_wait3A_111 : memref<40x128xi32, #tpu.memory_space<hbm>>) dst(%arg7 : memref<40x128xi32, #tpu.memory_space<vmem>>)
        tpu.yield
      }) : () -> ()
      %dma_start3A_58 = arith.constant 0 : i32
      %dma_start3A_59 = arith.constant 0 : i32
      %dma_start3A_60 = tpu.memref_slice %arg6[%dma_start3A_58, %dma_start3A_59] : memref<40x128xi32, #tpu.memory_space<vmem>> -> memref<1x128xi32, #tpu.memory_space<vmem>>
      %dma_start3A_61 = tpu.memref_squeeze %dma_start3A_60 : memref<1x128xi32, #tpu.memory_space<vmem>> -> memref<128xi32, #tpu.memory_space<vmem>>
      %dma_start3A_62 = arith.constant 0 : i32
      %dma_start3A_63 = arith.constant 0 : i32
      %dma_start3A_64 = tpu.memref_slice %arg2[%dma_start3A_62, %dma_start3A_63] : memref<90000x128xf32, #tpu.memory_space<hbm>> -> memref<90000x128xf32, #tpu.memory_space<hbm>>
      tpu.enqueue_indirect_dma source(%dma_start3A_64 : memref<90000x128xf32, #tpu.memory_space<hbm>>) target(%arg8 : memref<128x128xf32, #tpu.memory_space<vmem>>) offsets(%dma_start3A_61 : memref<128xi32, #tpu.memory_space<vmem>>) semaphore(%arg11 : memref<!tpu.dma_semaphore, #tpu.memory_space<semaphore_mem>>)
      %dma_start3A_65 = arith.constant 1 : i32
      %dma_start3A_66 = arith.constant 0 : i32
      %dma_start3A_67 = tpu.memref_slice %arg6[%dma_start3A_65, %dma_start3A_66] : memref<40x128xi32, #tpu.memory_space<vmem>> -> memref<1x128xi32, #tpu.memory_space<vmem>>
      %dma_start3A_68 = tpu.memref_squeeze %dma_start3A_67 : memref<1x128xi32, #tpu.memory_space<vmem>> -> memref<128xi32, #tpu.memory_space<vmem>>
      %dma_start3A_69 = arith.constant 0 : i32
      %dma_start3A_70 = arith.constant 0 : i32
      %dma_start3A_71 = tpu.memref_slice %arg2[%dma_start3A_69, %dma_start3A_70] : memref<90000x128xf32, #tpu.memory_space<hbm>> -> memref<90000x128xf32, #tpu.memory_space<hbm>>
      tpu.enqueue_indirect_dma source(%dma_start3A_71 : memref<90000x128xf32, #tpu.memory_space<hbm>>) target(%arg9 : memref<128x128xf32, #tpu.memory_space<vmem>>) offsets(%dma_start3A_68 : memref<128xi32, #tpu.memory_space<vmem>>) semaphore(%arg12 : memref<!tpu.dma_semaphore, #tpu.memory_space<semaphore_mem>>)
      %scan3A_72 = arith.constant 0 : i32
      %scan3A_73 = arith.constant 0 : i32
      %scan3A_74 = arith.constant 20 : i32
      %scan3A_75 = arith.addi %scan3A_73, %scan3A_74 : i32
      %scan3A_76 = arith.constant 1 : i32
      scf.for %scan3A_103 = %scan3A_73 to %scan3A_75 step %scan3A_76  : i32 {
        %mul3A_104 = arith.constant 2 : i32
        %mul3A_105 = arith.muli %scan3A_103, %mul3A_104 : i32
        %dma_wait3A_106 = arith.constant 0 : i32
        %dma_wait3A_107 = arith.constant 0 : i32
        %dma_wait3A_108 = tpu.memref_slice %arg6[%dma_wait3A_106, %dma_wait3A_107] : memref<40x128xi32, #tpu.memory_space<vmem>> -> memref<1x128xi32, #tpu.memory_space<vmem>>
        %dma_wait3A_109 = tpu.memref_squeeze %dma_wait3A_108 : memref<1x128xi32, #tpu.memory_space<vmem>> -> memref<128xi32, #tpu.memory_space<vmem>>
        %dma_wait3A_110 = arith.constant 0 : i32
        %dma_wait3A_111 = arith.constant 0 : i32
        %dma_wait3A_112 = tpu.memref_slice %arg2[%dma_wait3A_110, %dma_wait3A_111] : memref<90000x128xf32, #tpu.memory_space<hbm>> -> memref<90000x128xf32, #tpu.memory_space<hbm>>
        tpu.wait_indirect_dma semaphore(%arg11 : memref<!tpu.dma_semaphore, #tpu.memory_space<semaphore_mem>>) src(%dma_wait3A_112 : memref<90000x128xf32, #tpu.memory_space<hbm>>) dst(%arg8 : memref<128x128xf32, #tpu.memory_space<vmem>>)
        %add3A_113 = arith.constant 0 : i32
        %add3A_114 = arith.addi %mul3A_105, %add3A_113 : i32
        %dma_start3A_115 = arith.constant 0 : i32
        %dma_start3A_116 = tpu.memref_slice %arg7[%add3A_114, %dma_start3A_115] : memref<40x128xi32, #tpu.memory_space<vmem>> -> memref<1x128xi32, #tpu.memory_space<vmem>>
        %dma_start3A_117 = tpu.memref_squeeze %dma_start3A_116 : memref<1x128xi32, #tpu.memory_space<vmem>> -> memref<128xi32, #tpu.memory_space<vmem>>
        %dma_start3A_118 = arith.constant 0 : i32
        %dma_start3A_119 = arith.constant 0 : i32
        %dma_start3A_120 = tpu.memref_slice %arg10[%dma_start3A_118, %dma_start3A_119] : memref<10240x128xf32, #tpu.memory_space<vmem_shared>> -> memref<10240x128xf32, #tpu.memory_space<vmem_shared>>
        tpu.enqueue_indirect_dma source(%arg8 : memref<128x128xf32, #tpu.memory_space<vmem>>) target(%dma_start3A_120 : memref<10240x128xf32, #tpu.memory_space<vmem_shared>>) offsets(%dma_start3A_117 : memref<128xi32, #tpu.memory_space<vmem>>) semaphore(%arg13 : memref<!tpu.dma_semaphore, #tpu.memory_space<semaphore_mem>>) {add = true}
        %dma_wait3A_121 = arith.constant 1 : i32
        %dma_wait3A_122 = arith.constant 0 : i32
        %dma_wait3A_123 = tpu.memref_slice %arg6[%dma_wait3A_121, %dma_wait3A_122] : memref<40x128xi32, #tpu.memory_space<vmem>> -> memref<1x128xi32, #tpu.memory_space<vmem>>
        %dma_wait3A_124 = tpu.memref_squeeze %dma_wait3A_123 : memref<1x128xi32, #tpu.memory_space<vmem>> -> memref<128xi32, #tpu.memory_space<vmem>>
        %dma_wait3A_125 = arith.constant 0 : i32
        %dma_wait3A_126 = arith.constant 0 : i32
        %dma_wait3A_127 = tpu.memref_slice %arg2[%dma_wait3A_125, %dma_wait3A_126] : memref<90000x128xf32, #tpu.memory_space<hbm>> -> memref<90000x128xf32, #tpu.memory_space<hbm>>
        tpu.wait_indirect_dma semaphore(%arg12 : memref<!tpu.dma_semaphore, #tpu.memory_space<semaphore_mem>>) src(%dma_wait3A_127 : memref<90000x128xf32, #tpu.memory_space<hbm>>) dst(%arg9 : memref<128x128xf32, #tpu.memory_space<vmem>>)
        %add3A_128 = arith.constant 1 : i32
        %add3A_129 = arith.addi %mul3A_105, %add3A_128 : i32
        %dma_start3A_130 = arith.constant 0 : i32
        %dma_start3A_131 = tpu.memref_slice %arg7[%add3A_129, %dma_start3A_130] : memref<40x128xi32, #tpu.memory_space<vmem>> -> memref<1x128xi32, #tpu.memory_space<vmem>>
        %dma_start3A_132 = tpu.memref_squeeze %dma_start3A_131 : memref<1x128xi32, #tpu.memory_space<vmem>> -> memref<128xi32, #tpu.memory_space<vmem>>
        %dma_start3A_133 = arith.constant 0 : i32
        %dma_start3A_134 = arith.constant 0 : i32
        %dma_start3A_135 = tpu.memref_slice %arg10[%dma_start3A_133, %dma_start3A_134] : memref<10240x128xf32, #tpu.memory_space<vmem_shared>> -> memref<10240x128xf32, #tpu.memory_space<vmem_shared>>
        tpu.enqueue_indirect_dma source(%arg9 : memref<128x128xf32, #tpu.memory_space<vmem>>) target(%dma_start3A_135 : memref<10240x128xf32, #tpu.memory_space<vmem_shared>>) offsets(%dma_start3A_132 : memref<128xi32, #tpu.memory_space<vmem>>) semaphore(%arg14 : memref<!tpu.dma_semaphore, #tpu.memory_space<semaphore_mem>>) {add = true}
        %dma_wait3A_136 = arith.constant 0 : i32
        %dma_wait3A_137 = arith.constant 0 : i32
        %dma_wait3A_138 = tpu.memref_slice %arg7[%dma_wait3A_136, %dma_wait3A_137] : memref<40x128xi32, #tpu.memory_space<vmem>> -> memref<1x128xi32, #tpu.memory_space<vmem>>
        %dma_wait3A_139 = tpu.memref_squeeze %dma_wait3A_138 : memref<1x128xi32, #tpu.memory_space<vmem>> -> memref<128xi32, #tpu.memory_space<vmem>>
        %dma_wait3A_140 = arith.constant 0 : i32
        %dma_wait3A_141 = arith.constant 0 : i32
        %dma_wait3A_142 = tpu.memref_slice %arg10[%dma_wait3A_140, %dma_wait3A_141] : memref<10240x128xf32, #tpu.memory_space<vmem_shared>> -> memref<10240x128xf32, #tpu.memory_space<vmem_shared>>
        tpu.wait_indirect_dma semaphore(%arg13 : memref<!tpu.dma_semaphore, #tpu.memory_space<semaphore_mem>>) src(%arg8 : memref<128x128xf32, #tpu.memory_space<vmem>>) dst(%dma_wait3A_142 : memref<10240x128xf32, #tpu.memory_space<vmem_shared>>)
        %add3A_143 = arith.constant 1 : i32
        %add3A_144 = arith.addi %scan3A_103, %add3A_143 : i32
        %lt3A = arith.constant 20 : i32
        %lt3A_145 = arith.cmpi slt, %add3A_144, %lt3A : i32
        %convert_element_type3A_146 = arith.extui %lt3A_145 : i1 to i32
        %cond3A_147 = arith.constant 0 : i32
        %cond3A_148 = arith.cmpi ne, %convert_element_type3A_146, %cond3A_147 : i32
        scf.if %cond3A_148 {
          %add3A_163 = arith.constant 2 : i32
          %add3A_164 = arith.addi %mul3A_105, %add3A_163 : i32
          %add3A_165 = arith.constant 0 : i32
          %add3A_166 = arith.addi %add3A_164, %add3A_165 : i32
          %dma_start3A_167 = arith.constant 0 : i32
          %dma_start3A_168 = tpu.memref_slice %arg6[%add3A_166, %dma_start3A_167] : memref<40x128xi32, #tpu.memory_space<vmem>> -> memref<1x128xi32, #tpu.memory_space<vmem>>
          %dma_start3A_169 = tpu.memref_squeeze %dma_start3A_168 : memref<1x128xi32, #tpu.memory_space<vmem>> -> memref<128xi32, #tpu.memory_space<vmem>>
          %dma_start3A_170 = arith.constant 0 : i32
          %dma_start3A_171 = arith.constant 0 : i32
          %dma_start3A_172 = tpu.memref_slice %arg2[%dma_start3A_170, %dma_start3A_171] : memref<90000x128xf32, #tpu.memory_space<hbm>> -> memref<90000x128xf32, #tpu.memory_space<hbm>>
          tpu.enqueue_indirect_dma source(%dma_start3A_172 : memref<90000x128xf32, #tpu.memory_space<hbm>>) target(%arg8 : memref<128x128xf32, #tpu.memory_space<vmem>>) offsets(%dma_start3A_169 : memref<128xi32, #tpu.memory_space<vmem>>) semaphore(%arg11 : memref<!tpu.dma_semaphore, #tpu.memory_space<semaphore_mem>>)
        } else {
        }
        %dma_wait3A_149 = arith.constant 1 : i32
        %dma_wait3A_150 = arith.constant 0 : i32
        %dma_wait3A_151 = tpu.memref_slice %arg7[%dma_wait3A_149, %dma_wait3A_150] : memref<40x128xi32, #tpu.memory_space<vmem>> -> memref<1x128xi32, #tpu.memory_space<vmem>>
        %dma_wait3A_152 = tpu.memref_squeeze %dma_wait3A_151 : memref<1x128xi32, #tpu.memory_space<vmem>> -> memref<128xi32, #tpu.memory_space<vmem>>
        %dma_wait3A_153 = arith.constant 0 : i32
        %dma_wait3A_154 = arith.constant 0 : i32
        %dma_wait3A_155 = tpu.memref_slice %arg10[%dma_wait3A_153, %dma_wait3A_154] : memref<10240x128xf32, #tpu.memory_space<vmem_shared>> -> memref<10240x128xf32, #tpu.memory_space<vmem_shared>>
        tpu.wait_indirect_dma semaphore(%arg14 : memref<!tpu.dma_semaphore, #tpu.memory_space<semaphore_mem>>) src(%arg9 : memref<128x128xf32, #tpu.memory_space<vmem>>) dst(%dma_wait3A_155 : memref<10240x128xf32, #tpu.memory_space<vmem_shared>>)
        %add3A_156 = arith.constant 1 : i32
        %add3A_157 = arith.addi %scan3A_103, %add3A_156 : i32
        %lt3A_158 = arith.constant 20 : i32
        %lt3A_159 = arith.cmpi slt, %add3A_157, %lt3A_158 : i32
        %convert_element_type3A_160 = arith.extui %lt3A_159 : i1 to i32
        %cond3A_161 = arith.constant 0 : i32
        %cond3A_162 = arith.cmpi ne, %convert_element_type3A_160, %cond3A_161 : i32
        scf.if %cond3A_162 {
          %add3A_163 = arith.constant 2 : i32
          %add3A_164 = arith.addi %mul3A_105, %add3A_163 : i32
          %add3A_165 = arith.constant 1 : i32
          %add3A_166 = arith.addi %add3A_164, %add3A_165 : i32
          %dma_start3A_167 = arith.constant 0 : i32
          %dma_start3A_168 = tpu.memref_slice %arg6[%add3A_166, %dma_start3A_167] : memref<40x128xi32, #tpu.memory_space<vmem>> -> memref<1x128xi32, #tpu.memory_space<vmem>>
          %dma_start3A_169 = tpu.memref_squeeze %dma_start3A_168 : memref<1x128xi32, #tpu.memory_space<vmem>> -> memref<128xi32, #tpu.memory_space<vmem>>
          %dma_start3A_170 = arith.constant 0 : i32
          %dma_start3A_171 = arith.constant 0 : i32
          %dma_start3A_172 = tpu.memref_slice %arg2[%dma_start3A_170, %dma_start3A_171] : memref<90000x128xf32, #tpu.memory_space<hbm>> -> memref<90000x128xf32, #tpu.memory_space<hbm>>
          tpu.enqueue_indirect_dma source(%dma_start3A_172 : memref<90000x128xf32, #tpu.memory_space<hbm>>) target(%arg9 : memref<128x128xf32, #tpu.memory_space<vmem>>) offsets(%dma_start3A_169 : memref<128xi32, #tpu.memory_space<vmem>>) semaphore(%arg12 : memref<!tpu.dma_semaphore, #tpu.memory_space<semaphore_mem>>)
        } else {
        }
      }
      %scan3A_77 = arith.constant 20 : i32
      %mul3A_78 = arith.constant 80 : i32
      %mul3A_79 = arith.muli %arg1, %mul3A_78 : i32
      %add3A_80 = arith.constant 40 : i32
      %add3A_81 = arith.addi %mul3A_79, %add3A_80 : i32
      "tpu.region"() ({
        %run_scoped3A_103 = tpu.sem_alloc : memref<!tpu.dma_semaphore, #tpu.memory_space<semaphore_mem>>
        %dma_start3A_104 = arith.constant 0 : i32
        %dma_start3A_105 = tpu.memref_slice %arg3[%add3A_81, %dma_start3A_104] : memref<1280x128xi32, #tpu.memory_space<hbm>> -> memref<40x128xi32, #tpu.memory_space<hbm>>
        %dma_start3A_106 = arith.constant 0 : i32
        %dma_start3A_107 = tpu.memref_slice %arg3[%add3A_81, %dma_start3A_106] : memref<1280x128xi32, #tpu.memory_space<hbm>> -> memref<40x128xi32, #tpu.memory_space<hbm>>
        tpu.enqueue_dma source(%dma_start3A_107 : memref<40x128xi32, #tpu.memory_space<hbm>>) target(%arg6 : memref<40x128xi32, #tpu.memory_space<vmem>>) target_semaphore(%run_scoped3A_103 : memref<!tpu.dma_semaphore, #tpu.memory_space<semaphore_mem>>)
        %dma_wait3A_108 = arith.constant 0 : i32
        %dma_wait3A_109 = tpu.memref_slice %arg3[%add3A_81, %dma_wait3A_108] : memref<1280x128xi32, #tpu.memory_space<hbm>> -> memref<40x128xi32, #tpu.memory_space<hbm>>
        %dma_wait3A_110 = arith.constant 0 : i32
        %dma_wait3A_111 = tpu.memref_slice %arg3[%add3A_81, %dma_wait3A_110] : memref<1280x128xi32, #tpu.memory_space<hbm>> -> memref<40x128xi32, #tpu.memory_space<hbm>>
        tpu.wait_dma2 semaphore(%run_scoped3A_103 : memref<!tpu.dma_semaphore, #tpu.memory_space<semaphore_mem>>) src(%dma_wait3A_111 : memref<40x128xi32, #tpu.memory_space<hbm>>) dst(%arg6 : memref<40x128xi32, #tpu.memory_space<vmem>>)
        tpu.yield
      }) : () -> ()
      "tpu.region"() ({
        %run_scoped3A_103 = tpu.sem_alloc : memref<!tpu.dma_semaphore, #tpu.memory_space<semaphore_mem>>
        %dma_start3A_104 = arith.constant 0 : i32
        %dma_start3A_105 = tpu.memref_slice %arg4[%add3A_81, %dma_start3A_104] : memref<1280x128xi32, #tpu.memory_space<hbm>> -> memref<40x128xi32, #tpu.memory_space<hbm>>
        %dma_start3A_106 = arith.constant 0 : i32
        %dma_start3A_107 = tpu.memref_slice %arg4[%add3A_81, %dma_start3A_106] : memref<1280x128xi32, #tpu.memory_space<hbm>> -> memref<40x128xi32, #tpu.memory_space<hbm>>
        tpu.enqueue_dma source(%dma_start3A_107 : memref<40x128xi32, #tpu.memory_space<hbm>>) target(%arg7 : memref<40x128xi32, #tpu.memory_space<vmem>>) target_semaphore(%run_scoped3A_103 : memref<!tpu.dma_semaphore, #tpu.memory_space<semaphore_mem>>)
        %dma_wait3A_108 = arith.constant 0 : i32
        %dma_wait3A_109 = tpu.memref_slice %arg4[%add3A_81, %dma_wait3A_108] : memref<1280x128xi32, #tpu.memory_space<hbm>> -> memref<40x128xi32, #tpu.memory_space<hbm>>
        %dma_wait3A_110 = arith.constant 0 : i32
        %dma_wait3A_111 = tpu.memref_slice %arg4[%add3A_81, %dma_wait3A_110] : memref<1280x128xi32, #tpu.memory_space<hbm>> -> memref<40x128xi32, #tpu.memory_space<hbm>>
        tpu.wait_dma2 semaphore(%run_scoped3A_103 : memref<!tpu.dma_semaphore, #tpu.memory_space<semaphore_mem>>) src(%dma_wait3A_111 : memref<40x128xi32, #tpu.memory_space<hbm>>) dst(%arg7 : memref<40x128xi32, #tpu.memory_space<vmem>>)
        tpu.yield
      }) : () -> ()
      %dma_start3A_82 = arith.constant 0 : i32
      %dma_start3A_83 = arith.constant 0 : i32
      %dma_start3A_84 = tpu.memref_slice %arg6[%dma_start3A_82, %dma_start3A_83] : memref<40x128xi32, #tpu.memory_space<vmem>> -> memref<1x128xi32, #tpu.memory_space<vmem>>
      %dma_start3A_85 = tpu.memref_squeeze %dma_start3A_84 : memref<1x128xi32, #tpu.memory_space<vmem>> -> memref<128xi32, #tpu.memory_space<vmem>>
      %dma_start3A_86 = arith.constant 0 : i32
      %dma_start3A_87 = arith.constant 0 : i32
      %dma_start3A_88 = tpu.memref_slice %arg2[%dma_start3A_86, %dma_start3A_87] : memref<90000x128xf32, #tpu.memory_space<hbm>> -> memref<90000x128xf32, #tpu.memory_space<hbm>>
      tpu.enqueue_indirect_dma source(%dma_start3A_88 : memref<90000x128xf32, #tpu.memory_space<hbm>>) target(%arg8 : memref<128x128xf32, #tpu.memory_space<vmem>>) offsets(%dma_start3A_85 : memref<128xi32, #tpu.memory_space<vmem>>) semaphore(%arg11 : memref<!tpu.dma_semaphore, #tpu.memory_space<semaphore_mem>>)
      %dma_start3A_89 = arith.constant 1 : i32
      %dma_start3A_90 = arith.constant 0 : i32
      %dma_start3A_91 = tpu.memref_slice %arg6[%dma_start3A_89, %dma_start3A_90] : memref<40x128xi32, #tpu.memory_space<vmem>> -> memref<1x128xi32, #tpu.memory_space<vmem>>
      %dma_start3A_92 = tpu.memref_squeeze %dma_start3A_91 : memref<1x128xi32, #tpu.memory_space<vmem>> -> memref<128xi32, #tpu.memory_space<vmem>>
      %dma_start3A_93 = arith.constant 0 : i32
      %dma_start3A_94 = arith.constant 0 : i32
      %dma_start3A_95 = tpu.memref_slice %arg2[%dma_start3A_93, %dma_start3A_94] : memref<90000x128xf32, #tpu.memory_space<hbm>> -> memref<90000x128xf32, #tpu.memory_space<hbm>>
      tpu.enqueue_indirect_dma source(%dma_start3A_95 : memref<90000x128xf32, #tpu.memory_space<hbm>>) target(%arg9 : memref<128x128xf32, #tpu.memory_space<vmem>>) offsets(%dma_start3A_92 : memref<128xi32, #tpu.memory_space<vmem>>) semaphore(%arg12 : memref<!tpu.dma_semaphore, #tpu.memory_space<semaphore_mem>>)
      %scan3A_96 = arith.constant 0 : i32
      %scan3A_97 = arith.constant 0 : i32
      %scan3A_98 = arith.constant 20 : i32
      %scan3A_99 = arith.addi %scan3A_97, %scan3A_98 : i32
      %scan3A_100 = arith.constant 1 : i32
      scf.for %scan3A_103 = %scan3A_97 to %scan3A_99 step %scan3A_100  : i32 {
        %mul3A_104 = arith.constant 2 : i32
        %mul3A_105 = arith.muli %scan3A_103, %mul3A_104 : i32
        %dma_wait3A_106 = arith.constant 0 : i32
        %dma_wait3A_107 = arith.constant 0 : i32
        %dma_wait3A_108 = tpu.memref_slice %arg6[%dma_wait3A_106, %dma_wait3A_107] : memref<40x128xi32, #tpu.memory_space<vmem>> -> memref<1x128xi32, #tpu.memory_space<vmem>>
        %dma_wait3A_109 = tpu.memref_squeeze %dma_wait3A_108 : memref<1x128xi32, #tpu.memory_space<vmem>> -> memref<128xi32, #tpu.memory_space<vmem>>
        %dma_wait3A_110 = arith.constant 0 : i32
        %dma_wait3A_111 = arith.constant 0 : i32
        %dma_wait3A_112 = tpu.memref_slice %arg2[%dma_wait3A_110, %dma_wait3A_111] : memref<90000x128xf32, #tpu.memory_space<hbm>> -> memref<90000x128xf32, #tpu.memory_space<hbm>>
        tpu.wait_indirect_dma semaphore(%arg11 : memref<!tpu.dma_semaphore, #tpu.memory_space<semaphore_mem>>) src(%dma_wait3A_112 : memref<90000x128xf32, #tpu.memory_space<hbm>>) dst(%arg8 : memref<128x128xf32, #tpu.memory_space<vmem>>)
        %add3A_113 = arith.constant 0 : i32
        %add3A_114 = arith.addi %mul3A_105, %add3A_113 : i32
        %dma_start3A_115 = arith.constant 0 : i32
        %dma_start3A_116 = tpu.memref_slice %arg7[%add3A_114, %dma_start3A_115] : memref<40x128xi32, #tpu.memory_space<vmem>> -> memref<1x128xi32, #tpu.memory_space<vmem>>
        %dma_start3A_117 = tpu.memref_squeeze %dma_start3A_116 : memref<1x128xi32, #tpu.memory_space<vmem>> -> memref<128xi32, #tpu.memory_space<vmem>>
        %dma_start3A_118 = arith.constant 0 : i32
        %dma_start3A_119 = arith.constant 0 : i32
        %dma_start3A_120 = tpu.memref_slice %arg10[%dma_start3A_118, %dma_start3A_119] : memref<10240x128xf32, #tpu.memory_space<vmem_shared>> -> memref<10240x128xf32, #tpu.memory_space<vmem_shared>>
        tpu.enqueue_indirect_dma source(%arg8 : memref<128x128xf32, #tpu.memory_space<vmem>>) target(%dma_start3A_120 : memref<10240x128xf32, #tpu.memory_space<vmem_shared>>) offsets(%dma_start3A_117 : memref<128xi32, #tpu.memory_space<vmem>>) semaphore(%arg13 : memref<!tpu.dma_semaphore, #tpu.memory_space<semaphore_mem>>) {add = true}
        %dma_wait3A_121 = arith.constant 1 : i32
        %dma_wait3A_122 = arith.constant 0 : i32
        %dma_wait3A_123 = tpu.memref_slice %arg6[%dma_wait3A_121, %dma_wait3A_122] : memref<40x128xi32, #tpu.memory_space<vmem>> -> memref<1x128xi32, #tpu.memory_space<vmem>>
        %dma_wait3A_124 = tpu.memref_squeeze %dma_wait3A_123 : memref<1x128xi32, #tpu.memory_space<vmem>> -> memref<128xi32, #tpu.memory_space<vmem>>
        %dma_wait3A_125 = arith.constant 0 : i32
        %dma_wait3A_126 = arith.constant 0 : i32
        %dma_wait3A_127 = tpu.memref_slice %arg2[%dma_wait3A_125, %dma_wait3A_126] : memref<90000x128xf32, #tpu.memory_space<hbm>> -> memref<90000x128xf32, #tpu.memory_space<hbm>>
        tpu.wait_indirect_dma semaphore(%arg12 : memref<!tpu.dma_semaphore, #tpu.memory_space<semaphore_mem>>) src(%dma_wait3A_127 : memref<90000x128xf32, #tpu.memory_space<hbm>>) dst(%arg9 : memref<128x128xf32, #tpu.memory_space<vmem>>)
        %add3A_128 = arith.constant 1 : i32
        %add3A_129 = arith.addi %mul3A_105, %add3A_128 : i32
        %dma_start3A_130 = arith.constant 0 : i32
        %dma_start3A_131 = tpu.memref_slice %arg7[%add3A_129, %dma_start3A_130] : memref<40x128xi32, #tpu.memory_space<vmem>> -> memref<1x128xi32, #tpu.memory_space<vmem>>
        %dma_start3A_132 = tpu.memref_squeeze %dma_start3A_131 : memref<1x128xi32, #tpu.memory_space<vmem>> -> memref<128xi32, #tpu.memory_space<vmem>>
        %dma_start3A_133 = arith.constant 0 : i32
        %dma_start3A_134 = arith.constant 0 : i32
        %dma_start3A_135 = tpu.memref_slice %arg10[%dma_start3A_133, %dma_start3A_134] : memref<10240x128xf32, #tpu.memory_space<vmem_shared>> -> memref<10240x128xf32, #tpu.memory_space<vmem_shared>>
        tpu.enqueue_indirect_dma source(%arg9 : memref<128x128xf32, #tpu.memory_space<vmem>>) target(%dma_start3A_135 : memref<10240x128xf32, #tpu.memory_space<vmem_shared>>) offsets(%dma_start3A_132 : memref<128xi32, #tpu.memory_space<vmem>>) semaphore(%arg14 : memref<!tpu.dma_semaphore, #tpu.memory_space<semaphore_mem>>) {add = true}
        %dma_wait3A_136 = arith.constant 0 : i32
        %dma_wait3A_137 = arith.constant 0 : i32
        %dma_wait3A_138 = tpu.memref_slice %arg7[%dma_wait3A_136, %dma_wait3A_137] : memref<40x128xi32, #tpu.memory_space<vmem>> -> memref<1x128xi32, #tpu.memory_space<vmem>>
        %dma_wait3A_139 = tpu.memref_squeeze %dma_wait3A_138 : memref<1x128xi32, #tpu.memory_space<vmem>> -> memref<128xi32, #tpu.memory_space<vmem>>
        %dma_wait3A_140 = arith.constant 0 : i32
        %dma_wait3A_141 = arith.constant 0 : i32
        %dma_wait3A_142 = tpu.memref_slice %arg10[%dma_wait3A_140, %dma_wait3A_141] : memref<10240x128xf32, #tpu.memory_space<vmem_shared>> -> memref<10240x128xf32, #tpu.memory_space<vmem_shared>>
        tpu.wait_indirect_dma semaphore(%arg13 : memref<!tpu.dma_semaphore, #tpu.memory_space<semaphore_mem>>) src(%arg8 : memref<128x128xf32, #tpu.memory_space<vmem>>) dst(%dma_wait3A_142 : memref<10240x128xf32, #tpu.memory_space<vmem_shared>>)
        %add3A_143 = arith.constant 1 : i32
        %add3A_144 = arith.addi %scan3A_103, %add3A_143 : i32
        %lt3A = arith.constant 20 : i32
        %lt3A_145 = arith.cmpi slt, %add3A_144, %lt3A : i32
        %convert_element_type3A_146 = arith.extui %lt3A_145 : i1 to i32
        %cond3A_147 = arith.constant 0 : i32
        %cond3A_148 = arith.cmpi ne, %convert_element_type3A_146, %cond3A_147 : i32
        scf.if %cond3A_148 {
          %add3A_163 = arith.constant 2 : i32
          %add3A_164 = arith.addi %mul3A_105, %add3A_163 : i32
          %add3A_165 = arith.constant 0 : i32
          %add3A_166 = arith.addi %add3A_164, %add3A_165 : i32
          %dma_start3A_167 = arith.constant 0 : i32
          %dma_start3A_168 = tpu.memref_slice %arg6[%add3A_166, %dma_start3A_167] : memref<40x128xi32, #tpu.memory_space<vmem>> -> memref<1x128xi32, #tpu.memory_space<vmem>>
          %dma_start3A_169 = tpu.memref_squeeze %dma_start3A_168 : memref<1x128xi32, #tpu.memory_space<vmem>> -> memref<128xi32, #tpu.memory_space<vmem>>
          %dma_start3A_170 = arith.constant 0 : i32
          %dma_start3A_171 = arith.constant 0 : i32
          %dma_start3A_172 = tpu.memref_slice %arg2[%dma_start3A_170, %dma_start3A_171] : memref<90000x128xf32, #tpu.memory_space<hbm>> -> memref<90000x128xf32, #tpu.memory_space<hbm>>
          tpu.enqueue_indirect_dma source(%dma_start3A_172 : memref<90000x128xf32, #tpu.memory_space<hbm>>) target(%arg8 : memref<128x128xf32, #tpu.memory_space<vmem>>) offsets(%dma_start3A_169 : memref<128xi32, #tpu.memory_space<vmem>>) semaphore(%arg11 : memref<!tpu.dma_semaphore, #tpu.memory_space<semaphore_mem>>)
        } else {
        }
        %dma_wait3A_149 = arith.constant 1 : i32
        %dma_wait3A_150 = arith.constant 0 : i32
        %dma_wait3A_151 = tpu.memref_slice %arg7[%dma_wait3A_149, %dma_wait3A_150] : memref<40x128xi32, #tpu.memory_space<vmem>> -> memref<1x128xi32, #tpu.memory_space<vmem>>
        %dma_wait3A_152 = tpu.memref_squeeze %dma_wait3A_151 : memref<1x128xi32, #tpu.memory_space<vmem>> -> memref<128xi32, #tpu.memory_space<vmem>>
        %dma_wait3A_153 = arith.constant 0 : i32
        %dma_wait3A_154 = arith.constant 0 : i32
        %dma_wait3A_155 = tpu.memref_slice %arg10[%dma_wait3A_153, %dma_wait3A_154] : memref<10240x128xf32, #tpu.memory_space<vmem_shared>> -> memref<10240x128xf32, #tpu.memory_space<vmem_shared>>
        tpu.wait_indirect_dma semaphore(%arg14 : memref<!tpu.dma_semaphore, #tpu.memory_space<semaphore_mem>>) src(%arg9 : memref<128x128xf32, #tpu.memory_space<vmem>>) dst(%dma_wait3A_155 : memref<10240x128xf32, #tpu.memory_space<vmem_shared>>)
        %add3A_156 = arith.constant 1 : i32
        %add3A_157 = arith.addi %scan3A_103, %add3A_156 : i32
        %lt3A_158 = arith.constant 20 : i32
        %lt3A_159 = arith.cmpi slt, %add3A_157, %lt3A_158 : i32
        %convert_element_type3A_160 = arith.extui %lt3A_159 : i1 to i32
        %cond3A_161 = arith.constant 0 : i32
        %cond3A_162 = arith.cmpi ne, %convert_element_type3A_160, %cond3A_161 : i32
        scf.if %cond3A_162 {
          %add3A_163 = arith.constant 2 : i32
          %add3A_164 = arith.addi %mul3A_105, %add3A_163 : i32
          %add3A_165 = arith.constant 1 : i32
          %add3A_166 = arith.addi %add3A_164, %add3A_165 : i32
          %dma_start3A_167 = arith.constant 0 : i32
          %dma_start3A_168 = tpu.memref_slice %arg6[%add3A_166, %dma_start3A_167] : memref<40x128xi32, #tpu.memory_space<vmem>> -> memref<1x128xi32, #tpu.memory_space<vmem>>
          %dma_start3A_169 = tpu.memref_squeeze %dma_start3A_168 : memref<1x128xi32, #tpu.memory_space<vmem>> -> memref<128xi32, #tpu.memory_space<vmem>>
          %dma_start3A_170 = arith.constant 0 : i32
          %dma_start3A_171 = arith.constant 0 : i32
          %dma_start3A_172 = tpu.memref_slice %arg2[%dma_start3A_170, %dma_start3A_171] : memref<90000x128xf32, #tpu.memory_space<hbm>> -> memref<90000x128xf32, #tpu.memory_space<hbm>>
          tpu.enqueue_indirect_dma source(%dma_start3A_172 : memref<90000x128xf32, #tpu.memory_space<hbm>>) target(%arg9 : memref<128x128xf32, #tpu.memory_space<vmem>>) offsets(%dma_start3A_169 : memref<128xi32, #tpu.memory_space<vmem>>) semaphore(%arg12 : memref<!tpu.dma_semaphore, #tpu.memory_space<semaphore_mem>>)
        } else {
        }
      }
      %scan3A_101 = arith.constant 20 : i32
      %barrier3A_102 = arith.constant 0 : index
      tpu.barrier barrier_id(%barrier3A_102)
      %run_scoped3A = arith.constant 0 : i32
      "tpu.region"() ({
        %run_scoped3A_103 = tpu.sem_alloc : memref<!tpu.dma_semaphore, #tpu.memory_space<semaphore_mem>>
        %dma_start3A_104 = arith.constant 0 : i32
        %dma_start3A_105 = tpu.memref_slice %arg5[%run_scoped3A, %multiple_of3A, %dma_start3A_104] : memref<1x10240x128xf32, #tpu.memory_space<hbm>> -> memref<1x640x128xf32, #tpu.memory_space<hbm>>
        %dma_start3A_106 = tpu.memref_squeeze %dma_start3A_105 : memref<1x640x128xf32, #tpu.memory_space<hbm>> -> memref<640x128xf32, #tpu.memory_space<hbm>>
        %dma_start3A_107 = arith.constant 0 : i32
        %dma_start3A_108 = tpu.memref_slice %arg10[%multiple_of3A, %dma_start3A_107] : memref<10240x128xf32, #tpu.memory_space<vmem_shared>> -> memref<640x128xf32, #tpu.memory_space<vmem_shared>>
        tpu.enqueue_dma source(%dma_start3A_108 : memref<640x128xf32, #tpu.memory_space<vmem_shared>>) target(%dma_start3A_106 : memref<640x128xf32, #tpu.memory_space<hbm>>) target_semaphore(%run_scoped3A_103 : memref<!tpu.dma_semaphore, #tpu.memory_space<semaphore_mem>>)
        %dma_wait3A_109 = arith.constant 0 : i32
        %dma_wait3A_110 = tpu.memref_slice %arg5[%run_scoped3A, %multiple_of3A, %dma_wait3A_109] : memref<1x10240x128xf32, #tpu.memory_space<hbm>> -> memref<1x640x128xf32, #tpu.memory_space<hbm>>
        %dma_wait3A_111 = tpu.memref_squeeze %dma_wait3A_110 : memref<1x640x128xf32, #tpu.memory_space<hbm>> -> memref<640x128xf32, #tpu.memory_space<hbm>>
        %dma_wait3A_112 = arith.constant 0 : i32
        %dma_wait3A_113 = tpu.memref_slice %arg10[%multiple_of3A, %dma_wait3A_112] : memref<10240x128xf32, #tpu.memory_space<vmem_shared>> -> memref<640x128xf32, #tpu.memory_space<vmem_shared>>
        tpu.wait_dma2 semaphore(%run_scoped3A_103 : memref<!tpu.dma_semaphore, #tpu.memory_space<semaphore_mem>>) src(%dma_wait3A_113 : memref<640x128xf32, #tpu.memory_space<vmem_shared>>) dst(%dma_wait3A_111 : memref<640x128xf32, #tpu.memory_space<hbm>>)
        tpu.yield
      }) : () -> ()
    } else {
    }
    return
  }
}

module attributes {stable_mosaic.version = 14 : i64} {
  func.func @_mm2_kernel(%arg0: i32, %arg1: memref<1x1000x128xf32, #tpu.memory_space<vmem>>, %arg2: memref<1x1000x128xf32, #tpu.memory_space<vmem>>, %arg3: memref<4x128x128xf32, #tpu.memory_space<vmem>>, %arg4: memref<8x4xf32, #tpu.memory_space<smem>>, %arg5: memref<128x128xf32, #tpu.memory_space<vmem>>, %arg6: memref<1000x128xf32, #tpu.memory_space<vmem>>, %arg7: memref<9x1000x128xf32, #tpu.memory_space<vmem>>) attributes {dimension_semantics = [#tpu.dimension_semantics<arbitrary>], iteration_bounds = array<i64: 10>, scalar_prefetch = 0 : i64, scratch_operands = 0 : i64, tpu.core_type = #tpu.core_type<tc>, window_params = [{transform_indices = @transform_0, window_bounds = array<i64: 1, 1000, 128>}, {transform_indices = @transform_1, window_bounds = array<i64: 1, 1000, 128>}, {pipeline_mode = #tpu.pipeline_mode<synchronous>, transform_indices = @transform_2, window_bounds = array<i64: 4, 128, 128>}, {transform_indices = @transform_3, window_bounds = array<i64: 8, 4>}, {pipeline_mode = #tpu.pipeline_mode<synchronous>, transform_indices = @transform_4, window_bounds = array<i64: 128, 128>}, {transform_indices = @transform_5, window_bounds = array<i64: 1000, 128>}, {transform_indices = @transform_6, window_bounds = array<i64: 9, 1000, 128>}]} {
    %get3A = arith.constant 0 : index
    %get3A_0 = arith.constant 0 : index
    %get3A_1 = arith.constant 0 : index
    %get3A_2 = vector.load %arg1[%get3A, %get3A_0, %get3A_1] : memref<1x1000x128xf32, #tpu.memory_space<vmem>>, vector<1x1000x128xf32>
    %get3A_3 = vector.shape_cast %get3A_2 : vector<1x1000x128xf32> to vector<1000x128xf32>
    %get3A_4 = arith.constant 0 : index
    %get3A_5 = arith.constant 0 : index
    %get3A_6 = arith.constant 0 : index
    %get3A_7 = vector.load %arg2[%get3A_4, %get3A_5, %get3A_6] : memref<1x1000x128xf32, #tpu.memory_space<vmem>>, vector<1x1000x128xf32>
    %get3A_8 = vector.shape_cast %get3A_7 : vector<1x1000x128xf32> to vector<1000x128xf32>
    %add3A = arith.addf %get3A_3, %get3A_8 : vector<1000x128xf32>
    %max3A = arith.constant 0.000000e+00 : f32
    %max3A_9 = vector.broadcast %max3A : f32 to vector<1000x128xf32>
    %max3A_10 = arith.maximumf %add3A, %max3A_9 : vector<1000x128xf32>
    %swap3A = arith.constant 0 : index
    %swap3A_11 = arith.constant 0 : index
    %swap3A_12 = vector.load %arg6[%swap3A, %swap3A_11] : memref<1000x128xf32, #tpu.memory_space<vmem>>, vector<1000x128xf32>
    tpu.vector_store %arg6[%swap3A, %swap3A_11], %max3A_10 {strides = array<i32>} : memref<1000x128xf32, #tpu.memory_space<vmem>>, vector<1000x128xf32>,
    %get3A_13 = arith.constant 0 : index
    %get3A_14 = arith.constant 0 : index
    %get3A_15 = arith.constant 0 : index
    %get3A_16 = vector.load %arg3[%get3A_13, %get3A_14, %get3A_15] : memref<4x128x128xf32, #tpu.memory_space<vmem>>, vector<1x128x128xf32>
    %get3A_17 = vector.shape_cast %get3A_16 : vector<1x128x128xf32> to vector<128x128xf32>
    %dot_general3A = arith.constant dense<0.000000e+00> : vector<1000x128xf32>
    %dot_general3A_18 = tpu.matmul %max3A_10, %get3A_17, %dot_general3A {dimension_numbers = #tpu.dot_dimension_numbers<[1], [0], [0], [1], [0, 0, 1, 1], [], []>, transpose_lhs_hint = false} : vector<1000x128xf32>, vector<128x128xf32>, vector<1000x128xf32> -> vector<1000x128xf32>
    %get3A_19 = arith.constant 1 : index
    %get3A_20 = arith.constant 0 : index
    %get3A_21 = arith.constant 0 : index
    %get3A_22 = vector.load %arg3[%get3A_19, %get3A_20, %get3A_21] : memref<4x128x128xf32, #tpu.memory_space<vmem>>, vector<1x128x128xf32>
    %get3A_23 = vector.shape_cast %get3A_22 : vector<1x128x128xf32> to vector<128x128xf32>
    %dot_general3A_24 = arith.constant dense<0.000000e+00> : vector<1000x128xf32>
    %dot_general3A_25 = tpu.matmul %max3A_10, %get3A_23, %dot_general3A_24 {dimension_numbers = #tpu.dot_dimension_numbers<[1], [0], [0], [1], [0, 0, 1, 1], [], []>, transpose_lhs_hint = false} : vector<1000x128xf32>, vector<128x128xf32>, vector<1000x128xf32> -> vector<1000x128xf32>
    %get3A_26 = arith.constant 2 : index
    %get3A_27 = arith.constant 0 : index
    %get3A_28 = arith.constant 0 : index
    %get3A_29 = vector.load %arg3[%get3A_26, %get3A_27, %get3A_28] : memref<4x128x128xf32, #tpu.memory_space<vmem>>, vector<1x128x128xf32>
    %get3A_30 = vector.shape_cast %get3A_29 : vector<1x128x128xf32> to vector<128x128xf32>
    %dot_general3A_31 = arith.constant dense<0.000000e+00> : vector<1000x128xf32>
    %dot_general3A_32 = tpu.matmul %max3A_10, %get3A_30, %dot_general3A_31 {dimension_numbers = #tpu.dot_dimension_numbers<[1], [0], [0], [1], [0, 0, 1, 1], [], []>, transpose_lhs_hint = false} : vector<1000x128xf32>, vector<128x128xf32>, vector<1000x128xf32> -> vector<1000x128xf32>
    %get3A_33 = arith.constant 3 : index
    %get3A_34 = arith.constant 0 : index
    %get3A_35 = arith.constant 0 : index
    %get3A_36 = vector.load %arg3[%get3A_33, %get3A_34, %get3A_35] : memref<4x128x128xf32, #tpu.memory_space<vmem>>, vector<1x128x128xf32>
    %get3A_37 = vector.shape_cast %get3A_36 : vector<1x128x128xf32> to vector<128x128xf32>
    %dot_general3A_38 = arith.constant dense<0.000000e+00> : vector<1000x128xf32>
    %dot_general3A_39 = tpu.matmul %max3A_10, %get3A_37, %dot_general3A_38 {dimension_numbers = #tpu.dot_dimension_numbers<[1], [0], [0], [1], [0, 0, 1, 1], [], []>, transpose_lhs_hint = false} : vector<1000x128xf32>, vector<128x128xf32>, vector<1000x128xf32> -> vector<1000x128xf32>
    %get3A_40 = arith.constant 0 : index
    %get3A_41 = arith.constant 0 : index
    %get3A_42 = memref.load %arg4[%get3A_40, %get3A_41] : memref<8x4xf32, #tpu.memory_space<smem>>
    %mul3A = vector.broadcast %get3A_42 : f32 to vector<1000x128xf32>
    %mul3A_43 = arith.mulf %mul3A, %dot_general3A_18 : vector<1000x128xf32>
    %get3A_44 = arith.constant 0 : index
    %get3A_45 = arith.constant 1 : index
    %get3A_46 = memref.load %arg4[%get3A_44, %get3A_45] : memref<8x4xf32, #tpu.memory_space<smem>>
    %mul3A_47 = vector.broadcast %get3A_46 : f32 to vector<1000x128xf32>
    %mul3A_48 = arith.mulf %mul3A_47, %dot_general3A_25 : vector<1000x128xf32>
    %add3A_49 = arith.addf %mul3A_43, %mul3A_48 : vector<1000x128xf32>
    %get3A_50 = arith.constant 0 : index
    %get3A_51 = arith.constant 2 : index
    %get3A_52 = memref.load %arg4[%get3A_50, %get3A_51] : memref<8x4xf32, #tpu.memory_space<smem>>
    %mul3A_53 = vector.broadcast %get3A_52 : f32 to vector<1000x128xf32>
    %mul3A_54 = arith.mulf %mul3A_53, %dot_general3A_32 : vector<1000x128xf32>
    %add3A_55 = arith.addf %add3A_49, %mul3A_54 : vector<1000x128xf32>
    %get3A_56 = arith.constant 0 : index
    %get3A_57 = arith.constant 3 : index
    %get3A_58 = memref.load %arg4[%get3A_56, %get3A_57] : memref<8x4xf32, #tpu.memory_space<smem>>
    %mul3A_59 = vector.broadcast %get3A_58 : f32 to vector<1000x128xf32>
    %mul3A_60 = arith.mulf %mul3A_59, %dot_general3A_39 : vector<1000x128xf32>
    %add3A_61 = arith.addf %add3A_55, %mul3A_60 : vector<1000x128xf32>
    %swap3A_62 = arith.constant 0 : index
    %swap3A_63 = arith.constant 0 : index
    %swap3A_64 = arith.constant 0 : index
    %swap3A_65 = vector.load %arg7[%swap3A_62, %swap3A_63, %swap3A_64] : memref<9x1000x128xf32, #tpu.memory_space<vmem>>, vector<1x1000x128xf32>
    %swap3A_66 = vector.shape_cast %swap3A_65 : vector<1x1000x128xf32> to vector<1000x128xf32>
    %swap3A_67 = vector.shape_cast %add3A_61 : vector<1000x128xf32> to vector<1x1000x128xf32>
    tpu.vector_store %arg7[%swap3A_62, %swap3A_63, %swap3A_64], %swap3A_67 {strides = array<i32>} : memref<9x1000x128xf32, #tpu.memory_space<vmem>>, vector<1x1000x128xf32>,
    %get3A_68 = arith.constant 1 : index
    %get3A_69 = arith.constant 0 : index
    %get3A_70 = memref.load %arg4[%get3A_68, %get3A_69] : memref<8x4xf32, #tpu.memory_space<smem>>
    %mul3A_71 = vector.broadcast %get3A_70 : f32 to vector<1000x128xf32>
    %mul3A_72 = arith.mulf %mul3A_71, %dot_general3A_18 : vector<1000x128xf32>
    %get3A_73 = arith.constant 1 : index
    %get3A_74 = arith.constant 1 : index
    %get3A_75 = memref.load %arg4[%get3A_73, %get3A_74] : memref<8x4xf32, #tpu.memory_space<smem>>
    %mul3A_76 = vector.broadcast %get3A_75 : f32 to vector<1000x128xf32>
    %mul3A_77 = arith.mulf %mul3A_76, %dot_general3A_25 : vector<1000x128xf32>
    %add3A_78 = arith.addf %mul3A_72, %mul3A_77 : vector<1000x128xf32>
    %get3A_79 = arith.constant 1 : index
    %get3A_80 = arith.constant 2 : index
    %get3A_81 = memref.load %arg4[%get3A_79, %get3A_80] : memref<8x4xf32, #tpu.memory_space<smem>>
    %mul3A_82 = vector.broadcast %get3A_81 : f32 to vector<1000x128xf32>
    %mul3A_83 = arith.mulf %mul3A_82, %dot_general3A_32 : vector<1000x128xf32>
    %add3A_84 = arith.addf %add3A_78, %mul3A_83 : vector<1000x128xf32>
    %get3A_85 = arith.constant 1 : index
    %get3A_86 = arith.constant 3 : index
    %get3A_87 = memref.load %arg4[%get3A_85, %get3A_86] : memref<8x4xf32, #tpu.memory_space<smem>>
    %mul3A_88 = vector.broadcast %get3A_87 : f32 to vector<1000x128xf32>
    %mul3A_89 = arith.mulf %mul3A_88, %dot_general3A_39 : vector<1000x128xf32>
    %add3A_90 = arith.addf %add3A_84, %mul3A_89 : vector<1000x128xf32>
    %swap3A_91 = arith.constant 1 : index
    %swap3A_92 = arith.constant 0 : index
    %swap3A_93 = arith.constant 0 : index
    %swap3A_94 = vector.load %arg7[%swap3A_91, %swap3A_92, %swap3A_93] : memref<9x1000x128xf32, #tpu.memory_space<vmem>>, vector<1x1000x128xf32>
    %swap3A_95 = vector.shape_cast %swap3A_94 : vector<1x1000x128xf32> to vector<1000x128xf32>
    %swap3A_96 = vector.shape_cast %add3A_90 : vector<1000x128xf32> to vector<1x1000x128xf32>
    tpu.vector_store %arg7[%swap3A_91, %swap3A_92, %swap3A_93], %swap3A_96 {strides = array<i32>} : memref<9x1000x128xf32, #tpu.memory_space<vmem>>, vector<1x1000x128xf32>,
    %get3A_97 = arith.constant 2 : index
    %get3A_98 = arith.constant 0 : index
    %get3A_99 = memref.load %arg4[%get3A_97, %get3A_98] : memref<8x4xf32, #tpu.memory_space<smem>>
    %mul3A_100 = vector.broadcast %get3A_99 : f32 to vector<1000x128xf32>
    %mul3A_101 = arith.mulf %mul3A_100, %dot_general3A_18 : vector<1000x128xf32>
    %get3A_102 = arith.constant 2 : index
    %get3A_103 = arith.constant 1 : index
    %get3A_104 = memref.load %arg4[%get3A_102, %get3A_103] : memref<8x4xf32, #tpu.memory_space<smem>>
    %mul3A_105 = vector.broadcast %get3A_104 : f32 to vector<1000x128xf32>
    %mul3A_106 = arith.mulf %mul3A_105, %dot_general3A_25 : vector<1000x128xf32>
    %add3A_107 = arith.addf %mul3A_101, %mul3A_106 : vector<1000x128xf32>
    %get3A_108 = arith.constant 2 : index
    %get3A_109 = arith.constant 2 : index
    %get3A_110 = memref.load %arg4[%get3A_108, %get3A_109] : memref<8x4xf32, #tpu.memory_space<smem>>
    %mul3A_111 = vector.broadcast %get3A_110 : f32 to vector<1000x128xf32>
    %mul3A_112 = arith.mulf %mul3A_111, %dot_general3A_32 : vector<1000x128xf32>
    %add3A_113 = arith.addf %add3A_107, %mul3A_112 : vector<1000x128xf32>
    %get3A_114 = arith.constant 2 : index
    %get3A_115 = arith.constant 3 : index
    %get3A_116 = memref.load %arg4[%get3A_114, %get3A_115] : memref<8x4xf32, #tpu.memory_space<smem>>
    %mul3A_117 = vector.broadcast %get3A_116 : f32 to vector<1000x128xf32>
    %mul3A_118 = arith.mulf %mul3A_117, %dot_general3A_39 : vector<1000x128xf32>
    %add3A_119 = arith.addf %add3A_113, %mul3A_118 : vector<1000x128xf32>
    %swap3A_120 = arith.constant 2 : index
    %swap3A_121 = arith.constant 0 : index
    %swap3A_122 = arith.constant 0 : index
    %swap3A_123 = vector.load %arg7[%swap3A_120, %swap3A_121, %swap3A_122] : memref<9x1000x128xf32, #tpu.memory_space<vmem>>, vector<1x1000x128xf32>
    %swap3A_124 = vector.shape_cast %swap3A_123 : vector<1x1000x128xf32> to vector<1000x128xf32>
    %swap3A_125 = vector.shape_cast %add3A_119 : vector<1000x128xf32> to vector<1x1000x128xf32>
    tpu.vector_store %arg7[%swap3A_120, %swap3A_121, %swap3A_122], %swap3A_125 {strides = array<i32>} : memref<9x1000x128xf32, #tpu.memory_space<vmem>>, vector<1x1000x128xf32>,
    %get3A_126 = arith.constant 3 : index
    %get3A_127 = arith.constant 0 : index
    %get3A_128 = memref.load %arg4[%get3A_126, %get3A_127] : memref<8x4xf32, #tpu.memory_space<smem>>
    %mul3A_129 = vector.broadcast %get3A_128 : f32 to vector<1000x128xf32>
    %mul3A_130 = arith.mulf %mul3A_129, %dot_general3A_18 : vector<1000x128xf32>
    %get3A_131 = arith.constant 3 : index
    %get3A_132 = arith.constant 1 : index
    %get3A_133 = memref.load %arg4[%get3A_131, %get3A_132] : memref<8x4xf32, #tpu.memory_space<smem>>
    %mul3A_134 = vector.broadcast %get3A_133 : f32 to vector<1000x128xf32>
    %mul3A_135 = arith.mulf %mul3A_134, %dot_general3A_25 : vector<1000x128xf32>
    %add3A_136 = arith.addf %mul3A_130, %mul3A_135 : vector<1000x128xf32>
    %get3A_137 = arith.constant 3 : index
    %get3A_138 = arith.constant 2 : index
    %get3A_139 = memref.load %arg4[%get3A_137, %get3A_138] : memref<8x4xf32, #tpu.memory_space<smem>>
    %mul3A_140 = vector.broadcast %get3A_139 : f32 to vector<1000x128xf32>
    %mul3A_141 = arith.mulf %mul3A_140, %dot_general3A_32 : vector<1000x128xf32>
    %add3A_142 = arith.addf %add3A_136, %mul3A_141 : vector<1000x128xf32>
    %get3A_143 = arith.constant 3 : index
    %get3A_144 = arith.constant 3 : index
    %get3A_145 = memref.load %arg4[%get3A_143, %get3A_144] : memref<8x4xf32, #tpu.memory_space<smem>>
    %mul3A_146 = vector.broadcast %get3A_145 : f32 to vector<1000x128xf32>
    %mul3A_147 = arith.mulf %mul3A_146, %dot_general3A_39 : vector<1000x128xf32>
    %add3A_148 = arith.addf %add3A_142, %mul3A_147 : vector<1000x128xf32>
    %swap3A_149 = arith.constant 3 : index
    %swap3A_150 = arith.constant 0 : index
    %swap3A_151 = arith.constant 0 : index
    %swap3A_152 = vector.load %arg7[%swap3A_149, %swap3A_150, %swap3A_151] : memref<9x1000x128xf32, #tpu.memory_space<vmem>>, vector<1x1000x128xf32>
    %swap3A_153 = vector.shape_cast %swap3A_152 : vector<1x1000x128xf32> to vector<1000x128xf32>
    %swap3A_154 = vector.shape_cast %add3A_148 : vector<1000x128xf32> to vector<1x1000x128xf32>
    tpu.vector_store %arg7[%swap3A_149, %swap3A_150, %swap3A_151], %swap3A_154 {strides = array<i32>} : memref<9x1000x128xf32, #tpu.memory_space<vmem>>, vector<1x1000x128xf32>,
    %get3A_155 = arith.constant 4 : index
    %get3A_156 = arith.constant 0 : index
    %get3A_157 = memref.load %arg4[%get3A_155, %get3A_156] : memref<8x4xf32, #tpu.memory_space<smem>>
    %mul3A_158 = vector.broadcast %get3A_157 : f32 to vector<1000x128xf32>
    %mul3A_159 = arith.mulf %mul3A_158, %dot_general3A_18 : vector<1000x128xf32>
    %get3A_160 = arith.constant 4 : index
    %get3A_161 = arith.constant 1 : index
    %get3A_162 = memref.load %arg4[%get3A_160, %get3A_161] : memref<8x4xf32, #tpu.memory_space<smem>>
    %mul3A_163 = vector.broadcast %get3A_162 : f32 to vector<1000x128xf32>
    %mul3A_164 = arith.mulf %mul3A_163, %dot_general3A_25 : vector<1000x128xf32>
    %add3A_165 = arith.addf %mul3A_159, %mul3A_164 : vector<1000x128xf32>
    %get3A_166 = arith.constant 4 : index
    %get3A_167 = arith.constant 2 : index
    %get3A_168 = memref.load %arg4[%get3A_166, %get3A_167] : memref<8x4xf32, #tpu.memory_space<smem>>
    %mul3A_169 = vector.broadcast %get3A_168 : f32 to vector<1000x128xf32>
    %mul3A_170 = arith.mulf %mul3A_169, %dot_general3A_32 : vector<1000x128xf32>
    %add3A_171 = arith.addf %add3A_165, %mul3A_170 : vector<1000x128xf32>
    %get3A_172 = arith.constant 4 : index
    %get3A_173 = arith.constant 3 : index
    %get3A_174 = memref.load %arg4[%get3A_172, %get3A_173] : memref<8x4xf32, #tpu.memory_space<smem>>
    %mul3A_175 = vector.broadcast %get3A_174 : f32 to vector<1000x128xf32>
    %mul3A_176 = arith.mulf %mul3A_175, %dot_general3A_39 : vector<1000x128xf32>
    %add3A_177 = arith.addf %add3A_171, %mul3A_176 : vector<1000x128xf32>
    %swap3A_178 = arith.constant 4 : index
    %swap3A_179 = arith.constant 0 : index
    %swap3A_180 = arith.constant 0 : index
    %swap3A_181 = vector.load %arg7[%swap3A_178, %swap3A_179, %swap3A_180] : memref<9x1000x128xf32, #tpu.memory_space<vmem>>, vector<1x1000x128xf32>
    %swap3A_182 = vector.shape_cast %swap3A_181 : vector<1x1000x128xf32> to vector<1000x128xf32>
    %swap3A_183 = vector.shape_cast %add3A_177 : vector<1000x128xf32> to vector<1x1000x128xf32>
    tpu.vector_store %arg7[%swap3A_178, %swap3A_179, %swap3A_180], %swap3A_183 {strides = array<i32>} : memref<9x1000x128xf32, #tpu.memory_space<vmem>>, vector<1x1000x128xf32>,
    %get3A_184 = arith.constant 5 : index
    %get3A_185 = arith.constant 0 : index
    %get3A_186 = memref.load %arg4[%get3A_184, %get3A_185] : memref<8x4xf32, #tpu.memory_space<smem>>
    %mul3A_187 = vector.broadcast %get3A_186 : f32 to vector<1000x128xf32>
    %mul3A_188 = arith.mulf %mul3A_187, %dot_general3A_18 : vector<1000x128xf32>
    %get3A_189 = arith.constant 5 : index
    %get3A_190 = arith.constant 1 : index
    %get3A_191 = memref.load %arg4[%get3A_189, %get3A_190] : memref<8x4xf32, #tpu.memory_space<smem>>
    %mul3A_192 = vector.broadcast %get3A_191 : f32 to vector<1000x128xf32>
    %mul3A_193 = arith.mulf %mul3A_192, %dot_general3A_25 : vector<1000x128xf32>
    %add3A_194 = arith.addf %mul3A_188, %mul3A_193 : vector<1000x128xf32>
    %get3A_195 = arith.constant 5 : index
    %get3A_196 = arith.constant 2 : index
    %get3A_197 = memref.load %arg4[%get3A_195, %get3A_196] : memref<8x4xf32, #tpu.memory_space<smem>>
    %mul3A_198 = vector.broadcast %get3A_197 : f32 to vector<1000x128xf32>
    %mul3A_199 = arith.mulf %mul3A_198, %dot_general3A_32 : vector<1000x128xf32>
    %add3A_200 = arith.addf %add3A_194, %mul3A_199 : vector<1000x128xf32>
    %get3A_201 = arith.constant 5 : index
    %get3A_202 = arith.constant 3 : index
    %get3A_203 = memref.load %arg4[%get3A_201, %get3A_202] : memref<8x4xf32, #tpu.memory_space<smem>>
    %mul3A_204 = vector.broadcast %get3A_203 : f32 to vector<1000x128xf32>
    %mul3A_205 = arith.mulf %mul3A_204, %dot_general3A_39 : vector<1000x128xf32>
    %add3A_206 = arith.addf %add3A_200, %mul3A_205 : vector<1000x128xf32>
    %swap3A_207 = arith.constant 5 : index
    %swap3A_208 = arith.constant 0 : index
    %swap3A_209 = arith.constant 0 : index
    %swap3A_210 = vector.load %arg7[%swap3A_207, %swap3A_208, %swap3A_209] : memref<9x1000x128xf32, #tpu.memory_space<vmem>>, vector<1x1000x128xf32>
    %swap3A_211 = vector.shape_cast %swap3A_210 : vector<1x1000x128xf32> to vector<1000x128xf32>
    %swap3A_212 = vector.shape_cast %add3A_206 : vector<1000x128xf32> to vector<1x1000x128xf32>
    tpu.vector_store %arg7[%swap3A_207, %swap3A_208, %swap3A_209], %swap3A_212 {strides = array<i32>} : memref<9x1000x128xf32, #tpu.memory_space<vmem>>, vector<1x1000x128xf32>,
    %get3A_213 = arith.constant 6 : index
    %get3A_214 = arith.constant 0 : index
    %get3A_215 = memref.load %arg4[%get3A_213, %get3A_214] : memref<8x4xf32, #tpu.memory_space<smem>>
    %mul3A_216 = vector.broadcast %get3A_215 : f32 to vector<1000x128xf32>
    %mul3A_217 = arith.mulf %mul3A_216, %dot_general3A_18 : vector<1000x128xf32>
    %get3A_218 = arith.constant 6 : index
    %get3A_219 = arith.constant 1 : index
    %get3A_220 = memref.load %arg4[%get3A_218, %get3A_219] : memref<8x4xf32, #tpu.memory_space<smem>>
    %mul3A_221 = vector.broadcast %get3A_220 : f32 to vector<1000x128xf32>
    %mul3A_222 = arith.mulf %mul3A_221, %dot_general3A_25 : vector<1000x128xf32>
    %add3A_223 = arith.addf %mul3A_217, %mul3A_222 : vector<1000x128xf32>
    %get3A_224 = arith.constant 6 : index
    %get3A_225 = arith.constant 2 : index
    %get3A_226 = memref.load %arg4[%get3A_224, %get3A_225] : memref<8x4xf32, #tpu.memory_space<smem>>
    %mul3A_227 = vector.broadcast %get3A_226 : f32 to vector<1000x128xf32>
    %mul3A_228 = arith.mulf %mul3A_227, %dot_general3A_32 : vector<1000x128xf32>
    %add3A_229 = arith.addf %add3A_223, %mul3A_228 : vector<1000x128xf32>
    %get3A_230 = arith.constant 6 : index
    %get3A_231 = arith.constant 3 : index
    %get3A_232 = memref.load %arg4[%get3A_230, %get3A_231] : memref<8x4xf32, #tpu.memory_space<smem>>
    %mul3A_233 = vector.broadcast %get3A_232 : f32 to vector<1000x128xf32>
    %mul3A_234 = arith.mulf %mul3A_233, %dot_general3A_39 : vector<1000x128xf32>
    %add3A_235 = arith.addf %add3A_229, %mul3A_234 : vector<1000x128xf32>
    %swap3A_236 = arith.constant 6 : index
    %swap3A_237 = arith.constant 0 : index
    %swap3A_238 = arith.constant 0 : index
    %swap3A_239 = vector.load %arg7[%swap3A_236, %swap3A_237, %swap3A_238] : memref<9x1000x128xf32, #tpu.memory_space<vmem>>, vector<1x1000x128xf32>
    %swap3A_240 = vector.shape_cast %swap3A_239 : vector<1x1000x128xf32> to vector<1000x128xf32>
    %swap3A_241 = vector.shape_cast %add3A_235 : vector<1000x128xf32> to vector<1x1000x128xf32>
    tpu.vector_store %arg7[%swap3A_236, %swap3A_237, %swap3A_238], %swap3A_241 {strides = array<i32>} : memref<9x1000x128xf32, #tpu.memory_space<vmem>>, vector<1x1000x128xf32>,
    %get3A_242 = arith.constant 7 : index
    %get3A_243 = arith.constant 0 : index
    %get3A_244 = memref.load %arg4[%get3A_242, %get3A_243] : memref<8x4xf32, #tpu.memory_space<smem>>
    %mul3A_245 = vector.broadcast %get3A_244 : f32 to vector<1000x128xf32>
    %mul3A_246 = arith.mulf %mul3A_245, %dot_general3A_18 : vector<1000x128xf32>
    %get3A_247 = arith.constant 7 : index
    %get3A_248 = arith.constant 1 : index
    %get3A_249 = memref.load %arg4[%get3A_247, %get3A_248] : memref<8x4xf32, #tpu.memory_space<smem>>
    %mul3A_250 = vector.broadcast %get3A_249 : f32 to vector<1000x128xf32>
    %mul3A_251 = arith.mulf %mul3A_250, %dot_general3A_25 : vector<1000x128xf32>
    %add3A_252 = arith.addf %mul3A_246, %mul3A_251 : vector<1000x128xf32>
    %get3A_253 = arith.constant 7 : index
    %get3A_254 = arith.constant 2 : index
    %get3A_255 = memref.load %arg4[%get3A_253, %get3A_254] : memref<8x4xf32, #tpu.memory_space<smem>>
    %mul3A_256 = vector.broadcast %get3A_255 : f32 to vector<1000x128xf32>
    %mul3A_257 = arith.mulf %mul3A_256, %dot_general3A_32 : vector<1000x128xf32>
    %add3A_258 = arith.addf %add3A_252, %mul3A_257 : vector<1000x128xf32>
    %get3A_259 = arith.constant 7 : index
    %get3A_260 = arith.constant 3 : index
    %get3A_261 = memref.load %arg4[%get3A_259, %get3A_260] : memref<8x4xf32, #tpu.memory_space<smem>>
    %mul3A_262 = vector.broadcast %get3A_261 : f32 to vector<1000x128xf32>
    %mul3A_263 = arith.mulf %mul3A_262, %dot_general3A_39 : vector<1000x128xf32>
    %add3A_264 = arith.addf %add3A_258, %mul3A_263 : vector<1000x128xf32>
    %swap3A_265 = arith.constant 7 : index
    %swap3A_266 = arith.constant 0 : index
    %swap3A_267 = arith.constant 0 : index
    %swap3A_268 = vector.load %arg7[%swap3A_265, %swap3A_266, %swap3A_267] : memref<9x1000x128xf32, #tpu.memory_space<vmem>>, vector<1x1000x128xf32>
    %swap3A_269 = vector.shape_cast %swap3A_268 : vector<1x1000x128xf32> to vector<1000x128xf32>
    %swap3A_270 = vector.shape_cast %add3A_264 : vector<1000x128xf32> to vector<1x1000x128xf32>
    tpu.vector_store %arg7[%swap3A_265, %swap3A_266, %swap3A_267], %swap3A_270 {strides = array<i32>} : memref<9x1000x128xf32, #tpu.memory_space<vmem>>, vector<1x1000x128xf32>,
    %get3A_271 = arith.constant 0 : index
    %get3A_272 = arith.constant 0 : index
    %get3A_273 = vector.load %arg5[%get3A_271, %get3A_272] : memref<128x128xf32, #tpu.memory_space<vmem>>, vector<128x128xf32>
    %dot_general3A_274 = arith.constant dense<0.000000e+00> : vector<1000x128xf32>
    %dot_general3A_275 = tpu.matmul %max3A_10, %get3A_273, %dot_general3A_274 {dimension_numbers = #tpu.dot_dimension_numbers<[1], [0], [0], [1], [0, 0, 1, 1], [], []>, transpose_lhs_hint = false} : vector<1000x128xf32>, vector<128x128xf32>, vector<1000x128xf32> -> vector<1000x128xf32>
    %swap3A_276 = arith.constant 8 : index
    %swap3A_277 = arith.constant 0 : index
    %swap3A_278 = arith.constant 0 : index
    %swap3A_279 = vector.load %arg7[%swap3A_276, %swap3A_277, %swap3A_278] : memref<9x1000x128xf32, #tpu.memory_space<vmem>>, vector<1x1000x128xf32>
    %swap3A_280 = vector.shape_cast %swap3A_279 : vector<1x1000x128xf32> to vector<1000x128xf32>
    %swap3A_281 = vector.shape_cast %dot_general3A_275 : vector<1000x128xf32> to vector<1x1000x128xf32>
    tpu.vector_store %arg7[%swap3A_276, %swap3A_277, %swap3A_278], %swap3A_281 {strides = array<i32>} : memref<9x1000x128xf32, #tpu.memory_space<vmem>>, vector<1x1000x128xf32>,
    return
  }
  func.func @transform_0(%arg0: i32) -> (i32, i32, i32) {
    %c0_i32 = arith.constant 0 : i32
    %c0_i32_0 = arith.constant 0 : i32
    %c0_i32_1 = arith.constant 0 : i32
    return %c0_i32, %arg0, %c0_i32_0 : i32, i32, i32
  }
  func.func @transform_1(%arg0: i32) -> (i32, i32, i32) {
    %c8_i32 = arith.constant 8 : i32
    %c0_i32 = arith.constant 0 : i32
    %c0_i32_0 = arith.constant 0 : i32
    return %c8_i32, %arg0, %c0_i32 : i32, i32, i32
  }
  func.func @transform_2(%arg0: i32) -> (i32, i32, i32) {
    %c0_i32 = arith.constant 0 : i32
    %c0_i32_0 = arith.constant 0 : i32
    %c0_i32_1 = arith.constant 0 : i32
    %c0_i32_2 = arith.constant 0 : i32
    return %c0_i32, %c0_i32_0, %c0_i32_1 : i32, i32, i32
  }
  func.func @transform_3(%arg0: i32) -> (i32, i32) {
    %c0_i32 = arith.constant 0 : i32
    %c0_i32_0 = arith.constant 0 : i32
    %c0_i32_1 = arith.constant 0 : i32
    return %c0_i32, %c0_i32_0 : i32, i32
  }
  func.func @transform_4(%arg0: i32) -> (i32, i32) {
    %c0_i32 = arith.constant 0 : i32
    %c0_i32_0 = arith.constant 0 : i32
    %c0_i32_1 = arith.constant 0 : i32
    return %c0_i32, %c0_i32_0 : i32, i32
  }
  func.func @transform_5(%arg0: i32) -> (i32, i32) {
    %c0_i32 = arith.constant 0 : i32
    %c0_i32_0 = arith.constant 0 : i32
    return %arg0, %c0_i32 : i32, i32
  }
  func.func @transform_6(%arg0: i32) -> (i32, i32, i32) {
    %c0_i32 = arith.constant 0 : i32
    %c0_i32_0 = arith.constant 0 : i32
    %c0_i32_1 = arith.constant 0 : i32
    return %c0_i32, %arg0, %c0_i32_0 : i32, i32, i32
  }
}

module attributes {stable_mosaic.version = 14 : i64} {
  func.func @_mm1_kernel(%arg0: i32, %arg1: memref<1000x128xf32, #tpu.memory_space<vmem>>, %arg2: memref<4x128x128xf32, #tpu.memory_space<vmem>>, %arg3: memref<8x4xf32, #tpu.memory_space<smem>>, %arg4: memref<128x128xf32, #tpu.memory_space<vmem>>, %arg5: memref<9x1000x128xf32, #tpu.memory_space<vmem>>) attributes {dimension_semantics = [#tpu.dimension_semantics<arbitrary>], iteration_bounds = array<i64: 10>, scalar_prefetch = 0 : i64, scratch_operands = 0 : i64, tpu.core_type = #tpu.core_type<tc>, window_params = [{transform_indices = @transform_0, window_bounds = array<i64: 1000, 128>}, {pipeline_mode = #tpu.pipeline_mode<synchronous>, transform_indices = @transform_1, window_bounds = array<i64: 4, 128, 128>}, {transform_indices = @transform_2, window_bounds = array<i64: 8, 4>}, {pipeline_mode = #tpu.pipeline_mode<synchronous>, transform_indices = @transform_3, window_bounds = array<i64: 128, 128>}, {transform_indices = @transform_4, window_bounds = array<i64: 9, 1000, 128>}]} {
    %get3A = arith.constant 0 : index
    %get3A_0 = arith.constant 0 : index
    %get3A_1 = vector.load %arg1[%get3A, %get3A_0] : memref<1000x128xf32, #tpu.memory_space<vmem>>, vector<1000x128xf32>
    %get3A_2 = arith.constant 0 : index
    %get3A_3 = arith.constant 0 : index
    %get3A_4 = arith.constant 0 : index
    %get3A_5 = vector.load %arg2[%get3A_2, %get3A_3, %get3A_4] : memref<4x128x128xf32, #tpu.memory_space<vmem>>, vector<1x128x128xf32>
    %get3A_6 = vector.shape_cast %get3A_5 : vector<1x128x128xf32> to vector<128x128xf32>
    %dot_general3A = arith.constant dense<0.000000e+00> : vector<1000x128xf32>
    %dot_general3A_7 = tpu.matmul %get3A_1, %get3A_6, %dot_general3A {dimension_numbers = #tpu.dot_dimension_numbers<[1], [0], [0], [1], [0, 0, 1, 1], [], []>, transpose_lhs_hint = false} : vector<1000x128xf32>, vector<128x128xf32>, vector<1000x128xf32> -> vector<1000x128xf32>
    %get3A_8 = arith.constant 1 : index
    %get3A_9 = arith.constant 0 : index
    %get3A_10 = arith.constant 0 : index
    %get3A_11 = vector.load %arg2[%get3A_8, %get3A_9, %get3A_10] : memref<4x128x128xf32, #tpu.memory_space<vmem>>, vector<1x128x128xf32>
    %get3A_12 = vector.shape_cast %get3A_11 : vector<1x128x128xf32> to vector<128x128xf32>
    %dot_general3A_13 = arith.constant dense<0.000000e+00> : vector<1000x128xf32>
    %dot_general3A_14 = tpu.matmul %get3A_1, %get3A_12, %dot_general3A_13 {dimension_numbers = #tpu.dot_dimension_numbers<[1], [0], [0], [1], [0, 0, 1, 1], [], []>, transpose_lhs_hint = false} : vector<1000x128xf32>, vector<128x128xf32>, vector<1000x128xf32> -> vector<1000x128xf32>
    %get3A_15 = arith.constant 2 : index
    %get3A_16 = arith.constant 0 : index
    %get3A_17 = arith.constant 0 : index
    %get3A_18 = vector.load %arg2[%get3A_15, %get3A_16, %get3A_17] : memref<4x128x128xf32, #tpu.memory_space<vmem>>, vector<1x128x128xf32>
    %get3A_19 = vector.shape_cast %get3A_18 : vector<1x128x128xf32> to vector<128x128xf32>
    %dot_general3A_20 = arith.constant dense<0.000000e+00> : vector<1000x128xf32>
    %dot_general3A_21 = tpu.matmul %get3A_1, %get3A_19, %dot_general3A_20 {dimension_numbers = #tpu.dot_dimension_numbers<[1], [0], [0], [1], [0, 0, 1, 1], [], []>, transpose_lhs_hint = false} : vector<1000x128xf32>, vector<128x128xf32>, vector<1000x128xf32> -> vector<1000x128xf32>
    %get3A_22 = arith.constant 3 : index
    %get3A_23 = arith.constant 0 : index
    %get3A_24 = arith.constant 0 : index
    %get3A_25 = vector.load %arg2[%get3A_22, %get3A_23, %get3A_24] : memref<4x128x128xf32, #tpu.memory_space<vmem>>, vector<1x128x128xf32>
    %get3A_26 = vector.shape_cast %get3A_25 : vector<1x128x128xf32> to vector<128x128xf32>
    %dot_general3A_27 = arith.constant dense<0.000000e+00> : vector<1000x128xf32>
    %dot_general3A_28 = tpu.matmul %get3A_1, %get3A_26, %dot_general3A_27 {dimension_numbers = #tpu.dot_dimension_numbers<[1], [0], [0], [1], [0, 0, 1, 1], [], []>, transpose_lhs_hint = false} : vector<1000x128xf32>, vector<128x128xf32>, vector<1000x128xf32> -> vector<1000x128xf32>
    %get3A_29 = arith.constant 0 : index
    %get3A_30 = arith.constant 0 : index
    %get3A_31 = memref.load %arg3[%get3A_29, %get3A_30] : memref<8x4xf32, #tpu.memory_space<smem>>
    %mul3A = vector.broadcast %get3A_31 : f32 to vector<1000x128xf32>
    %mul3A_32 = arith.mulf %mul3A, %dot_general3A_7 : vector<1000x128xf32>
    %get3A_33 = arith.constant 0 : index
    %get3A_34 = arith.constant 1 : index
    %get3A_35 = memref.load %arg3[%get3A_33, %get3A_34] : memref<8x4xf32, #tpu.memory_space<smem>>
    %mul3A_36 = vector.broadcast %get3A_35 : f32 to vector<1000x128xf32>
    %mul3A_37 = arith.mulf %mul3A_36, %dot_general3A_14 : vector<1000x128xf32>
    %add3A = arith.addf %mul3A_32, %mul3A_37 : vector<1000x128xf32>
    %get3A_38 = arith.constant 0 : index
    %get3A_39 = arith.constant 2 : index
    %get3A_40 = memref.load %arg3[%get3A_38, %get3A_39] : memref<8x4xf32, #tpu.memory_space<smem>>
    %mul3A_41 = vector.broadcast %get3A_40 : f32 to vector<1000x128xf32>
    %mul3A_42 = arith.mulf %mul3A_41, %dot_general3A_21 : vector<1000x128xf32>
    %add3A_43 = arith.addf %add3A, %mul3A_42 : vector<1000x128xf32>
    %get3A_44 = arith.constant 0 : index
    %get3A_45 = arith.constant 3 : index
    %get3A_46 = memref.load %arg3[%get3A_44, %get3A_45] : memref<8x4xf32, #tpu.memory_space<smem>>
    %mul3A_47 = vector.broadcast %get3A_46 : f32 to vector<1000x128xf32>
    %mul3A_48 = arith.mulf %mul3A_47, %dot_general3A_28 : vector<1000x128xf32>
    %add3A_49 = arith.addf %add3A_43, %mul3A_48 : vector<1000x128xf32>
    %swap3A = arith.constant 0 : index
    %swap3A_50 = arith.constant 0 : index
    %swap3A_51 = arith.constant 0 : index
    %swap3A_52 = vector.load %arg5[%swap3A, %swap3A_50, %swap3A_51] : memref<9x1000x128xf32, #tpu.memory_space<vmem>>, vector<1x1000x128xf32>
    %swap3A_53 = vector.shape_cast %swap3A_52 : vector<1x1000x128xf32> to vector<1000x128xf32>
    %swap3A_54 = vector.shape_cast %add3A_49 : vector<1000x128xf32> to vector<1x1000x128xf32>
    tpu.vector_store %arg5[%swap3A, %swap3A_50, %swap3A_51], %swap3A_54 {strides = array<i32>} : memref<9x1000x128xf32, #tpu.memory_space<vmem>>, vector<1x1000x128xf32>,
    %get3A_55 = arith.constant 1 : index
    %get3A_56 = arith.constant 0 : index
    %get3A_57 = memref.load %arg3[%get3A_55, %get3A_56] : memref<8x4xf32, #tpu.memory_space<smem>>
    %mul3A_58 = vector.broadcast %get3A_57 : f32 to vector<1000x128xf32>
    %mul3A_59 = arith.mulf %mul3A_58, %dot_general3A_7 : vector<1000x128xf32>
    %get3A_60 = arith.constant 1 : index
    %get3A_61 = arith.constant 1 : index
    %get3A_62 = memref.load %arg3[%get3A_60, %get3A_61] : memref<8x4xf32, #tpu.memory_space<smem>>
    %mul3A_63 = vector.broadcast %get3A_62 : f32 to vector<1000x128xf32>
    %mul3A_64 = arith.mulf %mul3A_63, %dot_general3A_14 : vector<1000x128xf32>
    %add3A_65 = arith.addf %mul3A_59, %mul3A_64 : vector<1000x128xf32>
    %get3A_66 = arith.constant 1 : index
    %get3A_67 = arith.constant 2 : index
    %get3A_68 = memref.load %arg3[%get3A_66, %get3A_67] : memref<8x4xf32, #tpu.memory_space<smem>>
    %mul3A_69 = vector.broadcast %get3A_68 : f32 to vector<1000x128xf32>
    %mul3A_70 = arith.mulf %mul3A_69, %dot_general3A_21 : vector<1000x128xf32>
    %add3A_71 = arith.addf %add3A_65, %mul3A_70 : vector<1000x128xf32>
    %get3A_72 = arith.constant 1 : index
    %get3A_73 = arith.constant 3 : index
    %get3A_74 = memref.load %arg3[%get3A_72, %get3A_73] : memref<8x4xf32, #tpu.memory_space<smem>>
    %mul3A_75 = vector.broadcast %get3A_74 : f32 to vector<1000x128xf32>
    %mul3A_76 = arith.mulf %mul3A_75, %dot_general3A_28 : vector<1000x128xf32>
    %add3A_77 = arith.addf %add3A_71, %mul3A_76 : vector<1000x128xf32>
    %swap3A_78 = arith.constant 1 : index
    %swap3A_79 = arith.constant 0 : index
    %swap3A_80 = arith.constant 0 : index
    %swap3A_81 = vector.load %arg5[%swap3A_78, %swap3A_79, %swap3A_80] : memref<9x1000x128xf32, #tpu.memory_space<vmem>>, vector<1x1000x128xf32>
    %swap3A_82 = vector.shape_cast %swap3A_81 : vector<1x1000x128xf32> to vector<1000x128xf32>
    %swap3A_83 = vector.shape_cast %add3A_77 : vector<1000x128xf32> to vector<1x1000x128xf32>
    tpu.vector_store %arg5[%swap3A_78, %swap3A_79, %swap3A_80], %swap3A_83 {strides = array<i32>} : memref<9x1000x128xf32, #tpu.memory_space<vmem>>, vector<1x1000x128xf32>,
    %get3A_84 = arith.constant 2 : index
    %get3A_85 = arith.constant 0 : index
    %get3A_86 = memref.load %arg3[%get3A_84, %get3A_85] : memref<8x4xf32, #tpu.memory_space<smem>>
    %mul3A_87 = vector.broadcast %get3A_86 : f32 to vector<1000x128xf32>
    %mul3A_88 = arith.mulf %mul3A_87, %dot_general3A_7 : vector<1000x128xf32>
    %get3A_89 = arith.constant 2 : index
    %get3A_90 = arith.constant 1 : index
    %get3A_91 = memref.load %arg3[%get3A_89, %get3A_90] : memref<8x4xf32, #tpu.memory_space<smem>>
    %mul3A_92 = vector.broadcast %get3A_91 : f32 to vector<1000x128xf32>
    %mul3A_93 = arith.mulf %mul3A_92, %dot_general3A_14 : vector<1000x128xf32>
    %add3A_94 = arith.addf %mul3A_88, %mul3A_93 : vector<1000x128xf32>
    %get3A_95 = arith.constant 2 : index
    %get3A_96 = arith.constant 2 : index
    %get3A_97 = memref.load %arg3[%get3A_95, %get3A_96] : memref<8x4xf32, #tpu.memory_space<smem>>
    %mul3A_98 = vector.broadcast %get3A_97 : f32 to vector<1000x128xf32>
    %mul3A_99 = arith.mulf %mul3A_98, %dot_general3A_21 : vector<1000x128xf32>
    %add3A_100 = arith.addf %add3A_94, %mul3A_99 : vector<1000x128xf32>
    %get3A_101 = arith.constant 2 : index
    %get3A_102 = arith.constant 3 : index
    %get3A_103 = memref.load %arg3[%get3A_101, %get3A_102] : memref<8x4xf32, #tpu.memory_space<smem>>
    %mul3A_104 = vector.broadcast %get3A_103 : f32 to vector<1000x128xf32>
    %mul3A_105 = arith.mulf %mul3A_104, %dot_general3A_28 : vector<1000x128xf32>
    %add3A_106 = arith.addf %add3A_100, %mul3A_105 : vector<1000x128xf32>
    %swap3A_107 = arith.constant 2 : index
    %swap3A_108 = arith.constant 0 : index
    %swap3A_109 = arith.constant 0 : index
    %swap3A_110 = vector.load %arg5[%swap3A_107, %swap3A_108, %swap3A_109] : memref<9x1000x128xf32, #tpu.memory_space<vmem>>, vector<1x1000x128xf32>
    %swap3A_111 = vector.shape_cast %swap3A_110 : vector<1x1000x128xf32> to vector<1000x128xf32>
    %swap3A_112 = vector.shape_cast %add3A_106 : vector<1000x128xf32> to vector<1x1000x128xf32>
    tpu.vector_store %arg5[%swap3A_107, %swap3A_108, %swap3A_109], %swap3A_112 {strides = array<i32>} : memref<9x1000x128xf32, #tpu.memory_space<vmem>>, vector<1x1000x128xf32>,
    %get3A_113 = arith.constant 3 : index
    %get3A_114 = arith.constant 0 : index
    %get3A_115 = memref.load %arg3[%get3A_113, %get3A_114] : memref<8x4xf32, #tpu.memory_space<smem>>
    %mul3A_116 = vector.broadcast %get3A_115 : f32 to vector<1000x128xf32>
    %mul3A_117 = arith.mulf %mul3A_116, %dot_general3A_7 : vector<1000x128xf32>
    %get3A_118 = arith.constant 3 : index
    %get3A_119 = arith.constant 1 : index
    %get3A_120 = memref.load %arg3[%get3A_118, %get3A_119] : memref<8x4xf32, #tpu.memory_space<smem>>
    %mul3A_121 = vector.broadcast %get3A_120 : f32 to vector<1000x128xf32>
    %mul3A_122 = arith.mulf %mul3A_121, %dot_general3A_14 : vector<1000x128xf32>
    %add3A_123 = arith.addf %mul3A_117, %mul3A_122 : vector<1000x128xf32>
    %get3A_124 = arith.constant 3 : index
    %get3A_125 = arith.constant 2 : index
    %get3A_126 = memref.load %arg3[%get3A_124, %get3A_125] : memref<8x4xf32, #tpu.memory_space<smem>>
    %mul3A_127 = vector.broadcast %get3A_126 : f32 to vector<1000x128xf32>
    %mul3A_128 = arith.mulf %mul3A_127, %dot_general3A_21 : vector<1000x128xf32>
    %add3A_129 = arith.addf %add3A_123, %mul3A_128 : vector<1000x128xf32>
    %get3A_130 = arith.constant 3 : index
    %get3A_131 = arith.constant 3 : index
    %get3A_132 = memref.load %arg3[%get3A_130, %get3A_131] : memref<8x4xf32, #tpu.memory_space<smem>>
    %mul3A_133 = vector.broadcast %get3A_132 : f32 to vector<1000x128xf32>
    %mul3A_134 = arith.mulf %mul3A_133, %dot_general3A_28 : vector<1000x128xf32>
    %add3A_135 = arith.addf %add3A_129, %mul3A_134 : vector<1000x128xf32>
    %swap3A_136 = arith.constant 3 : index
    %swap3A_137 = arith.constant 0 : index
    %swap3A_138 = arith.constant 0 : index
    %swap3A_139 = vector.load %arg5[%swap3A_136, %swap3A_137, %swap3A_138] : memref<9x1000x128xf32, #tpu.memory_space<vmem>>, vector<1x1000x128xf32>
    %swap3A_140 = vector.shape_cast %swap3A_139 : vector<1x1000x128xf32> to vector<1000x128xf32>
    %swap3A_141 = vector.shape_cast %add3A_135 : vector<1000x128xf32> to vector<1x1000x128xf32>
    tpu.vector_store %arg5[%swap3A_136, %swap3A_137, %swap3A_138], %swap3A_141 {strides = array<i32>} : memref<9x1000x128xf32, #tpu.memory_space<vmem>>, vector<1x1000x128xf32>,
    %get3A_142 = arith.constant 4 : index
    %get3A_143 = arith.constant 0 : index
    %get3A_144 = memref.load %arg3[%get3A_142, %get3A_143] : memref<8x4xf32, #tpu.memory_space<smem>>
    %mul3A_145 = vector.broadcast %get3A_144 : f32 to vector<1000x128xf32>
    %mul3A_146 = arith.mulf %mul3A_145, %dot_general3A_7 : vector<1000x128xf32>
    %get3A_147 = arith.constant 4 : index
    %get3A_148 = arith.constant 1 : index
    %get3A_149 = memref.load %arg3[%get3A_147, %get3A_148] : memref<8x4xf32, #tpu.memory_space<smem>>
    %mul3A_150 = vector.broadcast %get3A_149 : f32 to vector<1000x128xf32>
    %mul3A_151 = arith.mulf %mul3A_150, %dot_general3A_14 : vector<1000x128xf32>
    %add3A_152 = arith.addf %mul3A_146, %mul3A_151 : vector<1000x128xf32>
    %get3A_153 = arith.constant 4 : index
    %get3A_154 = arith.constant 2 : index
    %get3A_155 = memref.load %arg3[%get3A_153, %get3A_154] : memref<8x4xf32, #tpu.memory_space<smem>>
    %mul3A_156 = vector.broadcast %get3A_155 : f32 to vector<1000x128xf32>
    %mul3A_157 = arith.mulf %mul3A_156, %dot_general3A_21 : vector<1000x128xf32>
    %add3A_158 = arith.addf %add3A_152, %mul3A_157 : vector<1000x128xf32>
    %get3A_159 = arith.constant 4 : index
    %get3A_160 = arith.constant 3 : index
    %get3A_161 = memref.load %arg3[%get3A_159, %get3A_160] : memref<8x4xf32, #tpu.memory_space<smem>>
    %mul3A_162 = vector.broadcast %get3A_161 : f32 to vector<1000x128xf32>
    %mul3A_163 = arith.mulf %mul3A_162, %dot_general3A_28 : vector<1000x128xf32>
    %add3A_164 = arith.addf %add3A_158, %mul3A_163 : vector<1000x128xf32>
    %swap3A_165 = arith.constant 4 : index
    %swap3A_166 = arith.constant 0 : index
    %swap3A_167 = arith.constant 0 : index
    %swap3A_168 = vector.load %arg5[%swap3A_165, %swap3A_166, %swap3A_167] : memref<9x1000x128xf32, #tpu.memory_space<vmem>>, vector<1x1000x128xf32>
    %swap3A_169 = vector.shape_cast %swap3A_168 : vector<1x1000x128xf32> to vector<1000x128xf32>
    %swap3A_170 = vector.shape_cast %add3A_164 : vector<1000x128xf32> to vector<1x1000x128xf32>
    tpu.vector_store %arg5[%swap3A_165, %swap3A_166, %swap3A_167], %swap3A_170 {strides = array<i32>} : memref<9x1000x128xf32, #tpu.memory_space<vmem>>, vector<1x1000x128xf32>,
    %get3A_171 = arith.constant 5 : index
    %get3A_172 = arith.constant 0 : index
    %get3A_173 = memref.load %arg3[%get3A_171, %get3A_172] : memref<8x4xf32, #tpu.memory_space<smem>>
    %mul3A_174 = vector.broadcast %get3A_173 : f32 to vector<1000x128xf32>
    %mul3A_175 = arith.mulf %mul3A_174, %dot_general3A_7 : vector<1000x128xf32>
    %get3A_176 = arith.constant 5 : index
    %get3A_177 = arith.constant 1 : index
    %get3A_178 = memref.load %arg3[%get3A_176, %get3A_177] : memref<8x4xf32, #tpu.memory_space<smem>>
    %mul3A_179 = vector.broadcast %get3A_178 : f32 to vector<1000x128xf32>
    %mul3A_180 = arith.mulf %mul3A_179, %dot_general3A_14 : vector<1000x128xf32>
    %add3A_181 = arith.addf %mul3A_175, %mul3A_180 : vector<1000x128xf32>
    %get3A_182 = arith.constant 5 : index
    %get3A_183 = arith.constant 2 : index
    %get3A_184 = memref.load %arg3[%get3A_182, %get3A_183] : memref<8x4xf32, #tpu.memory_space<smem>>
    %mul3A_185 = vector.broadcast %get3A_184 : f32 to vector<1000x128xf32>
    %mul3A_186 = arith.mulf %mul3A_185, %dot_general3A_21 : vector<1000x128xf32>
    %add3A_187 = arith.addf %add3A_181, %mul3A_186 : vector<1000x128xf32>
    %get3A_188 = arith.constant 5 : index
    %get3A_189 = arith.constant 3 : index
    %get3A_190 = memref.load %arg3[%get3A_188, %get3A_189] : memref<8x4xf32, #tpu.memory_space<smem>>
    %mul3A_191 = vector.broadcast %get3A_190 : f32 to vector<1000x128xf32>
    %mul3A_192 = arith.mulf %mul3A_191, %dot_general3A_28 : vector<1000x128xf32>
    %add3A_193 = arith.addf %add3A_187, %mul3A_192 : vector<1000x128xf32>
    %swap3A_194 = arith.constant 5 : index
    %swap3A_195 = arith.constant 0 : index
    %swap3A_196 = arith.constant 0 : index
    %swap3A_197 = vector.load %arg5[%swap3A_194, %swap3A_195, %swap3A_196] : memref<9x1000x128xf32, #tpu.memory_space<vmem>>, vector<1x1000x128xf32>
    %swap3A_198 = vector.shape_cast %swap3A_197 : vector<1x1000x128xf32> to vector<1000x128xf32>
    %swap3A_199 = vector.shape_cast %add3A_193 : vector<1000x128xf32> to vector<1x1000x128xf32>
    tpu.vector_store %arg5[%swap3A_194, %swap3A_195, %swap3A_196], %swap3A_199 {strides = array<i32>} : memref<9x1000x128xf32, #tpu.memory_space<vmem>>, vector<1x1000x128xf32>,
    %get3A_200 = arith.constant 6 : index
    %get3A_201 = arith.constant 0 : index
    %get3A_202 = memref.load %arg3[%get3A_200, %get3A_201] : memref<8x4xf32, #tpu.memory_space<smem>>
    %mul3A_203 = vector.broadcast %get3A_202 : f32 to vector<1000x128xf32>
    %mul3A_204 = arith.mulf %mul3A_203, %dot_general3A_7 : vector<1000x128xf32>
    %get3A_205 = arith.constant 6 : index
    %get3A_206 = arith.constant 1 : index
    %get3A_207 = memref.load %arg3[%get3A_205, %get3A_206] : memref<8x4xf32, #tpu.memory_space<smem>>
    %mul3A_208 = vector.broadcast %get3A_207 : f32 to vector<1000x128xf32>
    %mul3A_209 = arith.mulf %mul3A_208, %dot_general3A_14 : vector<1000x128xf32>
    %add3A_210 = arith.addf %mul3A_204, %mul3A_209 : vector<1000x128xf32>
    %get3A_211 = arith.constant 6 : index
    %get3A_212 = arith.constant 2 : index
    %get3A_213 = memref.load %arg3[%get3A_211, %get3A_212] : memref<8x4xf32, #tpu.memory_space<smem>>
    %mul3A_214 = vector.broadcast %get3A_213 : f32 to vector<1000x128xf32>
    %mul3A_215 = arith.mulf %mul3A_214, %dot_general3A_21 : vector<1000x128xf32>
    %add3A_216 = arith.addf %add3A_210, %mul3A_215 : vector<1000x128xf32>
    %get3A_217 = arith.constant 6 : index
    %get3A_218 = arith.constant 3 : index
    %get3A_219 = memref.load %arg3[%get3A_217, %get3A_218] : memref<8x4xf32, #tpu.memory_space<smem>>
    %mul3A_220 = vector.broadcast %get3A_219 : f32 to vector<1000x128xf32>
    %mul3A_221 = arith.mulf %mul3A_220, %dot_general3A_28 : vector<1000x128xf32>
    %add3A_222 = arith.addf %add3A_216, %mul3A_221 : vector<1000x128xf32>
    %swap3A_223 = arith.constant 6 : index
    %swap3A_224 = arith.constant 0 : index
    %swap3A_225 = arith.constant 0 : index
    %swap3A_226 = vector.load %arg5[%swap3A_223, %swap3A_224, %swap3A_225] : memref<9x1000x128xf32, #tpu.memory_space<vmem>>, vector<1x1000x128xf32>
    %swap3A_227 = vector.shape_cast %swap3A_226 : vector<1x1000x128xf32> to vector<1000x128xf32>
    %swap3A_228 = vector.shape_cast %add3A_222 : vector<1000x128xf32> to vector<1x1000x128xf32>
    tpu.vector_store %arg5[%swap3A_223, %swap3A_224, %swap3A_225], %swap3A_228 {strides = array<i32>} : memref<9x1000x128xf32, #tpu.memory_space<vmem>>, vector<1x1000x128xf32>,
    %get3A_229 = arith.constant 7 : index
    %get3A_230 = arith.constant 0 : index
    %get3A_231 = memref.load %arg3[%get3A_229, %get3A_230] : memref<8x4xf32, #tpu.memory_space<smem>>
    %mul3A_232 = vector.broadcast %get3A_231 : f32 to vector<1000x128xf32>
    %mul3A_233 = arith.mulf %mul3A_232, %dot_general3A_7 : vector<1000x128xf32>
    %get3A_234 = arith.constant 7 : index
    %get3A_235 = arith.constant 1 : index
    %get3A_236 = memref.load %arg3[%get3A_234, %get3A_235] : memref<8x4xf32, #tpu.memory_space<smem>>
    %mul3A_237 = vector.broadcast %get3A_236 : f32 to vector<1000x128xf32>
    %mul3A_238 = arith.mulf %mul3A_237, %dot_general3A_14 : vector<1000x128xf32>
    %add3A_239 = arith.addf %mul3A_233, %mul3A_238 : vector<1000x128xf32>
    %get3A_240 = arith.constant 7 : index
    %get3A_241 = arith.constant 2 : index
    %get3A_242 = memref.load %arg3[%get3A_240, %get3A_241] : memref<8x4xf32, #tpu.memory_space<smem>>
    %mul3A_243 = vector.broadcast %get3A_242 : f32 to vector<1000x128xf32>
    %mul3A_244 = arith.mulf %mul3A_243, %dot_general3A_21 : vector<1000x128xf32>
    %add3A_245 = arith.addf %add3A_239, %mul3A_244 : vector<1000x128xf32>
    %get3A_246 = arith.constant 7 : index
    %get3A_247 = arith.constant 3 : index
    %get3A_248 = memref.load %arg3[%get3A_246, %get3A_247] : memref<8x4xf32, #tpu.memory_space<smem>>
    %mul3A_249 = vector.broadcast %get3A_248 : f32 to vector<1000x128xf32>
    %mul3A_250 = arith.mulf %mul3A_249, %dot_general3A_28 : vector<1000x128xf32>
    %add3A_251 = arith.addf %add3A_245, %mul3A_250 : vector<1000x128xf32>
    %swap3A_252 = arith.constant 7 : index
    %swap3A_253 = arith.constant 0 : index
    %swap3A_254 = arith.constant 0 : index
    %swap3A_255 = vector.load %arg5[%swap3A_252, %swap3A_253, %swap3A_254] : memref<9x1000x128xf32, #tpu.memory_space<vmem>>, vector<1x1000x128xf32>
    %swap3A_256 = vector.shape_cast %swap3A_255 : vector<1x1000x128xf32> to vector<1000x128xf32>
    %swap3A_257 = vector.shape_cast %add3A_251 : vector<1000x128xf32> to vector<1x1000x128xf32>
    tpu.vector_store %arg5[%swap3A_252, %swap3A_253, %swap3A_254], %swap3A_257 {strides = array<i32>} : memref<9x1000x128xf32, #tpu.memory_space<vmem>>, vector<1x1000x128xf32>,
    %get3A_258 = arith.constant 0 : index
    %get3A_259 = arith.constant 0 : index
    %get3A_260 = vector.load %arg4[%get3A_258, %get3A_259] : memref<128x128xf32, #tpu.memory_space<vmem>>, vector<128x128xf32>
    %dot_general3A_261 = arith.constant dense<0.000000e+00> : vector<1000x128xf32>
    %dot_general3A_262 = tpu.matmul %get3A_1, %get3A_260, %dot_general3A_261 {dimension_numbers = #tpu.dot_dimension_numbers<[1], [0], [0], [1], [0, 0, 1, 1], [], []>, transpose_lhs_hint = false} : vector<1000x128xf32>, vector<128x128xf32>, vector<1000x128xf32> -> vector<1000x128xf32>
    %swap3A_263 = arith.constant 8 : index
    %swap3A_264 = arith.constant 0 : index
    %swap3A_265 = arith.constant 0 : index
    %swap3A_266 = vector.load %arg5[%swap3A_263, %swap3A_264, %swap3A_265] : memref<9x1000x128xf32, #tpu.memory_space<vmem>>, vector<1x1000x128xf32>
    %swap3A_267 = vector.shape_cast %swap3A_266 : vector<1x1000x128xf32> to vector<1000x128xf32>
    %swap3A_268 = vector.shape_cast %dot_general3A_262 : vector<1000x128xf32> to vector<1x1000x128xf32>
    tpu.vector_store %arg5[%swap3A_263, %swap3A_264, %swap3A_265], %swap3A_268 {strides = array<i32>} : memref<9x1000x128xf32, #tpu.memory_space<vmem>>, vector<1x1000x128xf32>,
    return
  }
  func.func @transform_0(%arg0: i32) -> (i32, i32) {
    %c0_i32 = arith.constant 0 : i32
    %c0_i32_0 = arith.constant 0 : i32
    return %arg0, %c0_i32 : i32, i32
  }
  func.func @transform_1(%arg0: i32) -> (i32, i32, i32) {
    %c0_i32 = arith.constant 0 : i32
    %c0_i32_0 = arith.constant 0 : i32
    %c0_i32_1 = arith.constant 0 : i32
    %c0_i32_2 = arith.constant 0 : i32
    return %c0_i32, %c0_i32_0, %c0_i32_1 : i32, i32, i32
  }
  func.func @transform_2(%arg0: i32) -> (i32, i32) {
    %c0_i32 = arith.constant 0 : i32
    %c0_i32_0 = arith.constant 0 : i32
    %c0_i32_1 = arith.constant 0 : i32
    return %c0_i32, %c0_i32_0 : i32, i32
  }
  func.func @transform_3(%arg0: i32) -> (i32, i32) {
    %c0_i32 = arith.constant 0 : i32
    %c0_i32_0 = arith.constant 0 : i32
    %c0_i32_1 = arith.constant 0 : i32
    return %c0_i32, %c0_i32_0 : i32, i32
  }
  func.func @transform_4(%arg0: i32) -> (i32, i32, i32) {
    %c0_i32 = arith.constant 0 : i32
    %c0_i32_0 = arith.constant 0 : i32
    %c0_i32_1 = arith.constant 0 : i32
    return %c0_i32, %arg0, %c0_i32_0 : i32, i32, i32
  }
}

module attributes {stable_mosaic.version = 14 : i64} {
  func.func @_relu_kernel(%arg0: i32, %arg1: memref<1x1000x128xf32, #tpu.memory_space<vmem>>, %arg2: memref<1x1000x128xf32, #tpu.memory_space<vmem>>, %arg3: memref<1000x128xf32, #tpu.memory_space<vmem>>) attributes {dimension_semantics = [#tpu.dimension_semantics<arbitrary>], iteration_bounds = array<i64: 10>, scalar_prefetch = 0 : i64, scratch_operands = 0 : i64, tpu.core_type = #tpu.core_type<tc>, window_params = [{transform_indices = @transform_0, window_bounds = array<i64: 1, 1000, 128>}, {transform_indices = @transform_1, window_bounds = array<i64: 1, 1000, 128>}, {transform_indices = @transform_2, window_bounds = array<i64: 1000, 128>}]} {
    %get3A = arith.constant 0 : index
    %get3A_0 = arith.constant 0 : index
    %get3A_1 = arith.constant 0 : index
    %get3A_2 = vector.load %arg1[%get3A, %get3A_0, %get3A_1] : memref<1x1000x128xf32, #tpu.memory_space<vmem>>, vector<1x1000x128xf32>
    %get3A_3 = vector.shape_cast %get3A_2 : vector<1x1000x128xf32> to vector<1000x128xf32>
    %get3A_4 = arith.constant 0 : index
    %get3A_5 = arith.constant 0 : index
    %get3A_6 = arith.constant 0 : index
    %get3A_7 = vector.load %arg2[%get3A_4, %get3A_5, %get3A_6] : memref<1x1000x128xf32, #tpu.memory_space<vmem>>, vector<1x1000x128xf32>
    %get3A_8 = vector.shape_cast %get3A_7 : vector<1x1000x128xf32> to vector<1000x128xf32>
    %add3A = arith.addf %get3A_3, %get3A_8 : vector<1000x128xf32>
    %max3A = arith.constant 0.000000e+00 : f32
    %max3A_9 = vector.broadcast %max3A : f32 to vector<1000x128xf32>
    %max3A_10 = arith.maximumf %add3A, %max3A_9 : vector<1000x128xf32>
    %swap3A = arith.constant 0 : index
    %swap3A_11 = arith.constant 0 : index
    %swap3A_12 = vector.load %arg3[%swap3A, %swap3A_11] : memref<1000x128xf32, #tpu.memory_space<vmem>>, vector<1000x128xf32>
    tpu.vector_store %arg3[%swap3A, %swap3A_11], %max3A_10 {strides = array<i32>} : memref<1000x128xf32, #tpu.memory_space<vmem>>, vector<1000x128xf32>,
    return
  }
  func.func @transform_0(%arg0: i32) -> (i32, i32, i32) {
    %c0_i32 = arith.constant 0 : i32
    %c0_i32_0 = arith.constant 0 : i32
    %c0_i32_1 = arith.constant 0 : i32
    return %c0_i32, %arg0, %c0_i32_0 : i32, i32, i32
  }
  func.func @transform_1(%arg0: i32) -> (i32, i32, i32) {
    %c8_i32 = arith.constant 8 : i32
    %c0_i32 = arith.constant 0 : i32
    %c0_i32_0 = arith.constant 0 : i32
    return %c8_i32, %arg0, %c0_i32 : i32, i32, i32
  }
  func.func @transform_2(%arg0: i32) -> (i32, i32) {
    %c0_i32 = arith.constant 0 : i32
    %c0_i32_0 = arith.constant 0 : i32
    return %arg0, %c0_i32 : i32, i32
  }
}

</mosaic_0001>

<sc_bundles>
// kernel: kernel.10.cloned.1.call-start
scs
__scs_entry_jumppad:
0x0: {  	(pc) =	sbr.rel $0x88, $3  }
0x1: {  	(tag) =	ssettag $0x0;
	lr =	simm.s32 $0x1  }
0x2: {  	[smem:$0x3F98] =	sst lr;
	_ =	strace $0xD0000000  }
0x3: {  	_ = 	snop  }
0x4: {  	_ = 	snop  }
0x5: {  	_ = 	snop  }
0x6: {  	_ = 	snop  }
0x7: {  	_ = 	snop  }
__scs_overlays_trampoline_lowered:
0x8: {  	[smem:$0x3FA7] =	sst s0  }
0x9: {  	[smem:$0x3FA8] =	sst s1  }
0xa: {  	[smem:$0x3FA9] =	sst s2  }
0xb: {  	[smem:$0x3FAA] =	sst s3  }
0xc: {  	[smem:$0x3FAB] =	sst s4  }
0xd: {  	[smem:$0x3FAC] =	sst s5  }
0xe: {  	[smem:$0x3FAD] =	sst s6  }
0xf: {  	[smem:$0x3FAE] =	sst s7  }
0x10: {  	[smem:$0x3FAF] =	sst s8  }
0x11: {  	[smem:$0x3FB0] =	sst s9;
	s0 =	simm.s32 @!p0 $0x0  }
0x12: {  	s1 =	sld [smem:$0x3F96];
	s0 =	simm.s32 @p0 $0x1  }
0x13: {  	[smem:$0x3FB1] =	sst s0;
	s0 =	simm.s32 @!p1 $0x0  }
0x14: {  	s2 =	sld [smem:$0x3F95];
	s0 =	simm.s32 @p1 $0x1  }
0x15: {  	[smem:$0x3FB2] =	sst s0;
	s0 =	simm.s32 @!p2 $0x0  }
0x16: {  	s3 =	sld [smem:$0x3FDB];
	s0 =	simm.s32 @p2 $0x1  }
0x17: {  	s4 =	simm.s32 $0x1BF5;
	[smem:$0x3FB4] =	sst s0  }
0x18: {  	s0 =	sld [smem:$0x3F97];
	_ =	swait.ge [sflag:s4], $0x0  }
0x19: {  	s7 =	sld [smem:$0x3F98]  }
0x1a: {  	s8 =	sadd.s32 $0xFFFFE003, lr  }
0x1b: {  	s9 =	sadd.s32 $0xFFFFFEF7, lr;
	s5 =	simm.s32 $0xFFFFFFFF;
	p2 =	slt.u32 s8, $0xFFFFF086  }
0x1c: {  	p1 =	slt.u32 s9, $0xF7A;
	s5 =	simm.s32 @!p2 $0x0  }
0x1d: {  	s5 =	simm.s32 @p1 $0x1;
	p0 =	seq.s32 s7, s2  }
0x1e: {  	s7 =	smul.u32 @!p0 $0xF7A, s2;
	p2 =	seq.s32 @!p0 s5, $0x0  }
0x1f: {  	s9 =	smul.u32 $0xF7A, s1;
	s8 =	simm.s32 @!p0 $0x1BF5;
	p2 =	por !p2, p0  }
0x20: {  	[sflag:s8] =	ssyncset.s32 @!p0 $0xFFFFF086;
	s6 =	sadd.s32 @!p0 s3, s7;
	s7 =	simm.s32 @!p0 $0x108  }
0x21: {  	s3 =	sadd.s32 s3, s9;
	s6 =	sadd.s32 @!p0 $0x88, s6;
	s7 =	simm.s32 @p2 $0x1082  }
0x22: {  	[simem:s7], [sflag:s8] =	dma.local @!p0 [hbm:s6], $0xF7A  }
0x23: {  	s9 =	sor.u32 $0xD0000000, s2;
	s6 =	simm.s32 $0x108;
	_ =	swait.ge @!p0 [sflag:s8], $0x0  }
0x24: {  	s3 =	sadd.s32 $0x88, s3;
	s6 =	simm.s32 @!p1 $0x1082;
	[sflag:s4] =	ssyncset.s32 $0xFFFFF086  }
0x25: {  	[simem:s6], [sflag:s4] =	dma.local [hbm:s3], $0xF7A  }
0x26: {  	[smem:$0x3F98] =	sst s1;
	(tag) =	ssettag s2;
	_ =	strace s9  }
0x27: {  	s1 =	sld [smem:$0x3FA8]  }
0x28: {  	s2 =	sld [smem:$0x3FA9]  }
0x29: {  	s4 =	sld [smem:$0x3FAB]  }
0x2a: {  	p0 =	seq.s32 s5, $0x0;
	s5 =	sld [smem:$0x3FAC]  }
0x2b: {  	s6 =	sld [smem:$0x3FAD]  }
0x2c: {  	s7 =	sld [smem:$0x3FAE]  }
0x2d: {  	s3 =	simm.s32 $0x108;
	s8 =	sld [smem:$0x3FAF]  }
0x2e: {  	s3 =	simm.s32 @!p0 $0x1082;
	s9 =	sld [smem:$0x3FB0]  }
0x2f: {  	lr =	sadd.s32 s0, s3;
	s0 =	sld [smem:$0x3FA7]  }
0x30: {  	s3 =	sld [smem:$0x3FAA]  }
0x31: {  	[smem:$0x3FB3] =	sst s10  }
0x32: {  	s10 =	sld [smem:$0x3FB1];
	_ =	sdelay $0x3  }
0x33: {  	p0 =	seq.s32 s10, $0x1;
	s10 =	sld [smem:$0x3FB3];
	_ =	sdelay $0x3  }
0x34: {  	[smem:$0x3FB3] =	sst s10  }
0x35: {  	s10 =	sld [smem:$0x3FB2];
	_ =	sdelay $0x3  }
0x36: {  	p1 =	seq.s32 s10, $0x1;
	s10 =	sld [smem:$0x3FB3];
	_ =	sdelay $0x3  }
0x37: {  	[smem:$0x3FB3] =	sst s10  }
0x38: {  	s10 =	sld [smem:$0x3FB4]  }
0x39: {  	_ = 	snop;
	(pc) =	sbr.ind lr, $3  }
0x3a: {  	_ = 	snop  }
0x3b: {  	_ = 	snop  }
0x3c: {  	p2 =	seq.s32 s10, $0x1;
	s10 =	sld [smem:$0x3FB3]  }
0x3d: {  	_ =	shalt  }
0x3e: {  	_ =	shalt  }
0x3f: {  	_ =	shalt  }
0x40: {  	_ =	shalt  }
0x41: {  	_ =	shalt  }
0x42: {  	_ =	shalt  }
0x43: {  	_ =	shalt  }
0x44: {  	_ =	shalt  }
0x45: {  	_ =	shalt  }
0x46: {  	_ =	shalt  }
0x47: {  	_ =	shalt  }
0x48: {  	_ =	shalt  }
0x49: {  	_ =	shalt  }
0x4a: {  	_ =	shalt  }
0x4b: {  	_ =	shalt  }
0x4c: {  	_ =	shalt  }
0x4d: {  	_ =	shalt  }
0x4e: {  	_ =	shalt  }
0x4f: {  	_ =	shalt  }
0x50: {  	_ =	shalt  }
0x51: {  	_ =	shalt  }
0x52: {  	_ =	shalt  }
0x53: {  	_ =	shalt  }
0x54: {  	_ =	shalt  }
0x55: {  	_ =	shalt  }
0x56: {  	_ =	shalt  }
0x57: {  	_ =	shalt  }
0x58: {  	_ =	shalt  }
0x59: {  	_ =	shalt  }
0x5a: {  	_ =	shalt  }
0x5b: {  	_ =	shalt  }
0x5c: {  	_ =	shalt  }
0x5d: {  	_ =	shalt  }
0x5e: {  	_ =	shalt  }
0x5f: {  	_ =	shalt  }
0x60: {  	_ =	shalt  }
0x61: {  	_ =	shalt  }
0x62: {  	_ =	shalt  }
0x63: {  	_ =	shalt  }
0x64: {  	_ =	shalt  }
0x65: {  	_ =	shalt  }
0x66: {  	_ =	shalt  }
0x67: {  	_ =	shalt  }
0x68: {  	_ =	shalt  }
0x69: {  	_ =	shalt  }
0x6a: {  	_ =	shalt  }
0x6b: {  	_ =	shalt  }
0x6c: {  	_ =	shalt  }
0x6d: {  	_ =	shalt  }
0x6e: {  	_ =	shalt  }
0x6f: {  	_ =	shalt  }
0x70: {  	_ =	shalt  }
0x71: {  	_ =	shalt  }
0x72: {  	_ =	shalt  }
0x73: {  	_ =	shalt  }
0x74: {  	_ =	shalt  }
0x75: {  	_ =	shalt  }
0x76: {  	_ =	shalt  }
0x77: {  	_ =	shalt  }
0x78: {  	_ =	shalt  }
0x79: {  	_ =	shalt  }
0x7a: {  	_ =	shalt  }
0x7b: {  	_ =	shalt  }
0x7c: {  	_ =	shalt  }
0x7d: {  	_ =	shalt  }
0x7e: {  	_ =	shalt  }
0x7f: {  	_ =	shalt  }
0x80: {  	_ =	shalt  }
0x81: {  	_ =	shalt  }
0x82: {  	_ =	shalt  }
0x83: {  	_ =	shalt  }
0x84: {  	_ =	shalt  }
0x85: {  	_ =	shalt  }
0x86: {  	_ =	shalt  }
0x87: {  	_ =	shalt  }
.Lfunc_end0:
.L_simem_size_0:
called_computation.1_lowered:
.L_overlay_start_0:
0x88: {  	s2 =	sld [smem:$0x3FD9]  }
0x89: {  	s3 =	sld [smem:$0x3FFE];
	_ =	sdelay $0x1  }
0x8a: {  	s1 =	srdreg.scid  }
0x8b: {  	s0 =	sand.u32 $0x1, s1  }
0x8c: {  	s17 =	sshll.u32 s0, $0xA;
	s2 =	sadd.s32 s3, s2  }
0x8d: {  	s2 =	sadd.s32 s2, s17  }
0x8e: {  	[smem:$0x3FBF] =	sst s2  }
0x8f: {  	_ = 	snop  }
0x90: {  	s2 =	sld [smem:$0x3FD0];
	(tm) =	ssettm $0x1  }
0x91: {  	s18 =	sld [smem:$0x3FFB];
	_ =	sdelay $0x3  }
0x92: {  	_ =	strace s18  }
0x93: {  	s3 =	sld [smem:$0x3FFC];
	_ =	sdelay $0x3  }
0x94: {  	_ =	strace s3  }
0x95: {  	s3 =	sld [smem:$0x3FFD];
	_ =	sdelay $0x3  }
0x96: {  	_ =	strace s3  }
0x97: {  	_ =	strace $0x8FFFFFFF  }
0x98: {  	s19 =	sld [smem:$0x3FDB];
	_ =	sdelay $0x1  }
0x99: {  	s4 =	simm.s32 $_scs_section_size  }
0x9a: {  	s5 =	simm.s32 $_size__tile_overlayer_lowered;
	s6 =	simm.s32 $_tile_overlayer_lowered  }
0x9b: {  	s22 =	simm.s32 $0x1BFF;
	s21 =	sshll.u32 s6, $0x1;
	s3 =	sadd.s32 s4, s19  }
0x9c: {  	s7 =	simm.s32 $0x0;
	s20 =	sshll.u32 s5, $0x1;
	s5 =	sadd.s32 s21, s3  }
0x9d: {  	[timem:s7], [sflag:s22] =	dma.local [hbm:s5], s20  }
0x9e: {  	_ =	swait.ge [sflag:s22], s20  }
0x9f: {  	s4 =	ssub.s32 $0x0, s20;
	[sflag:s22] =	ssyncset.done $0x0  }
0xa0: {  	[sflag:s22] =	ssyncadd.s32 s4;
	_ =	sdelay $0x1  }
0xa1: {  	s23 =	simm.s32 $0x1B8B  }
0xa2: {  	_ =	swait.ge [sflag:s23], $0x1  }
0xa3: {  	[sflag:s23] =	ssyncset.done $0x0  }
0xa4: {  	s25 =	simm.s32 $0x1B8E;
	s24 =	sld [smem:$0x3FFE];
	[sflag:s23] =	ssyncadd.s32 $0xFFFFFFFF  }
0xa5: {  	s26 =	simm.s32 $execute0_lowered;
	[smem:$0x3FD2] =	sst s25  }
0xa6: {  	s5 =	sshll.u32 s26, $0x1;
	_ =	strace $0x80000049;
	[dreg:$0x1] =	wrdreg $0xFFFFFFFF  }
0xa7: {  	s28 =	simm.s32 $_size_execute0_lowered;
	s3 =	sadd.s32 s3, s5;
	[dreg:$0x0] =	wrdreg $0x0  }
0xa8: {  	s5 =	sshll.u32 s28, $0x1;
	[dreg:$0x2] =	wrdreg s3  }
0xa9: {  	[dreg:$0x3] =	wrdreg s5  }
0xaa: {  	[dreg:$0x4] =	wrdreg $0xC0  }
0xab: {  	_ =	task [dreg:s7], $0x5FFFF  }
0xac: {  	[dreg:$0x1] =	wrdreg $0xFFFFFFFF  }
0xad: {  	[dreg:$0x0] =	wrdreg $0x60  }
0xae: {  	[dreg:$0x2] =	wrdreg s24  }
0xaf: {  	[dreg:$0x3] =	wrdreg s2  }
0xb0: {  	[dreg:$0x4] =	wrdreg $0xA8000  }
0xb1: {  	[dreg:$0x5] =	wrdreg $0x9  }
0xb2: {  	_ =	task.clear_ibuf [dreg:s7], $0x6FFFF;
	_ =	strace $0x90000049  }
0xb3: {  	s29 =	simm.s32 $0x9;
	_ =	strace $0x8000004B  }
0xb4: {  	_ =	swait.ge [sflag:s29], $0x1  }
0xb5: {  	[sflag:s29] =	ssyncadd.s32 $0xFFFFFFFF  }
0xb6: {  	_ =	strace $0x9000004B  }
0xb7: {  	_ =	sfence  }
0xb8: {  	s30 =	sld [smem:$0x0];
	_ =	sdelay $0x2  }
0xb9: {  	s31 =	sshll.u32 s1, $0xD;
	s1 =	sshrl.u32 s1, $0x2  }
0xba: {  	s3 =	sand.u32 $0x4000, s31;
	s1 =	sadd.s32 s1, s30  }
0xbb: {  	s0 =	sor.u32 s3, s0;
	s1 =	sshll.u32 s1, $0x11  }
0xbc: {  	s0 =	sor.u32 s1, s0  }
0xbd: {  	s0 =	sadd.s32 $0x8F2B, s0  }
0xbe: {  	[sflag:s0] =	ssyncadd.remote.s32 $0x1  }
0xbf: {  	_ =	sfence.sel $0xFFFF  }
0xc0: {  	[dreg:$0x0] =	wrdreg $0xFFFFFFFF;
	(pc) =	sbr.abs _section_cstart, $3  }
0xc1: {  	[dreg:$0x1] =	wrdreg $0xFFFFFFFF  }
0xc2: {  	_ =	task.clear_ibuf [dreg:s7], $0x2FFFF;
	_ =	strace $0x9FFFFFFF  }
0xc3: {  	(tm) =	ssettm $0x7FFFFFFF  }
tec
execute0_lowered:
.L_overlay_start_1:
0x0: {  	(tag) =	ssettag $0x1  }
0x1: {  	s1 =	srdreg.scid  }
0x2: {  	s1 =	sand.u32 $0x1, s1  }
0x3: {  	p0 =	seq.s32 s1, $0x1  }
.Ltmp0:
0x4: {  	s6 =	rddreg [dreg:$0x0];
	(pc) =	sbr.rel @p0 .LBB2_8-.Ltmp0, $4  }
0x5: {  	s4 =	rddreg [dreg:$0x1]  }
0x6: {  	s2 =	rddreg [dreg:$0x2];
	s3 =	simm.s32 $0x0  }
0x7: {  	[smem:$0x7FF] =	sst s3  }
0x8: {  	s0 =	rddreg [dreg:$0x3];
	_ =	strace $0x8000004A;
	s1 =	stileid.u32  }
0x9: {  	s3 =	smul.u32 $0x50000, s1  }
0xa: {  	s8 =	smul.u32 $0x2800, s1  }
0xb: {  	s10 =	smul.u32 $0x500, s1  }
0xc: {  	s5 =	sadd.s32 $0x16AE00, s6;
	s7 =	sadd.s32 $0x6400, s6;
	s31 =	sadd.s32 $0x1400, s6  }
0xd: {  	s3 =	sshrl.u32 s3, $0x2;
	s15 =	sshrl.u32 s8, $0x3;
	s11 =	sadd.s32 s7, s10  }
0xe: {  	s10 =	sadd.s32 s31, s10;
	s4 =	sadd.s32 s4, s8;
	s3 =	sadd.s32 s3, s2  }
0xf: {  	s8 =	simm.s32 $0x0;
	s15 =	sadd.s32 $0x280, s15;
	s9 =	sadd.s32 $0x4000, s3  }
0x10: {  	s12 =	sadd.s32 $0x8000, s3;
	s13 =	sadd.s32 $0xC000, s3;
	s14 =	sadd.s32 $0x10000, s3  }
0x11: {  	v0 =	vimm.f32 $0.0e+00;
	s7 =	sadd.s32 s7, s15;
	s6 =	sadd.s32 s31, s15;
	s15 =	simm.s32 $0x200  }
.LBB2_2:
0x12: {  	p0 =	sne.s32 s15, $0xFE00;
	[tilespmem:s8+$0x2870] =	vst v0  }
0x13: {  	[tilespmem:s8+$0x2800] =	vst v0  }
0x14: {  	[tilespmem:s8+$0x2810] =	vst v0  }
.Ltmp1:
0x15: {  	[tilespmem:s8+$0x2820] =	vst v0;
	(pc) =	sbr.rel @p0 .LBB2_2-.Ltmp1, $4  }
0x16: {  	[tilespmem:s8+$0x2830] =	vst v0  }
0x17: {  	[tilespmem:s8+$0x2840] =	vst v0  }
0x18: {  	[tilespmem:s8+$0x2850] =	vst v0  }
0x19: {  	[tilespmem:s8+$0x2860] =	vst v0;
	s8 =	sshra.s32 s15, $0x2;
	s15 =	sadd.s32 $0x200, s15  }
0x1a: {  	[tilespmem:s8+$0x2870] =	vst v0  }
0x1b: {  	[tilespmem:s8+$0x2800] =	vst v0  }
0x1c: {  	[tilespmem:s8+$0x2810] =	vst v0  }
0x1d: {  	[tilespmem:s8+$0x2820] =	vst v0  }
0x1e: {  	[tilespmem:s8+$0x2830] =	vst v0  }
0x1f: {  	[tilespmem:s8+$0x2840] =	vst v0  }
0x20: {  	[tilespmem:s8+$0x2850] =	vst v0  }
0x21: {  	[tilespmem:s8+$0x2860] =	vst v0;
	s8 =	simm.s32 $0x2800  }
0x22: {  	[spmem:s3] =	stream.linear.scatter [tilespmem:s8], [sflag:$0x3], $0x4000, $0x38;
	[tilespmem:$0x1E800] =	vst v63  }
0x23: {  	_ = 	snop  }
0x24: {  	[spmem:s9] =	stream.linear.scatter [tilespmem:s8], [sflag:$0x3], $0x4000, $0x38;
	[tilespmem:$0x1E800] =	vst v63  }
0x25: {  	_ = 	snop  }
0x26: {  	[spmem:s12] =	stream.linear.scatter [tilespmem:s8], [sflag:$0x3], $0x4000, $0x38;
	[tilespmem:$0x1E800] =	vst v63  }
0x27: {  	_ = 	snop  }
0x28: {  	[spmem:s13] =	stream.linear.scatter [tilespmem:s8], [sflag:$0x3], $0x4000, $0x38;
	[tilespmem:$0x1E800] =	vst v63  }
0x29: {  	s9 =	simm.s32 $0x3  }
0x2a: {  	[spmem:s14] =	stream.linear.scatter [tilespmem:s8], [sflag:$0x3], $0x4000, $0x38;
	[tilespmem:$0x1E800] =	vst v63  }
0x2b: {  	_ =	swait.ge [sflag:s9], $0x4000  }
0x2c: {  	[sflag:s9] =	ssyncset.done $0x0  }
0x2d: {  	[sflag:s9] =	ssyncadd.s32 $0xFFFFC000  }
0x2e: {  	_ =	swait.ge [sflag:s9], $0x4000  }
0x2f: {  	[sflag:s9] =	ssyncset.done $0x0  }
0x30: {  	[sflag:s9] =	ssyncadd.s32 $0xFFFFC000  }
0x31: {  	_ =	swait.ge [sflag:s9], $0x4000  }
0x32: {  	[sflag:s9] =	ssyncset.done $0x0  }
0x33: {  	[sflag:s9] =	ssyncadd.s32 $0xFFFFC000  }
0x34: {  	_ =	swait.ge [sflag:s9], $0x4000  }
0x35: {  	[sflag:s9] =	ssyncset.done $0x0  }
0x36: {  	[sflag:s9] =	ssyncadd.s32 $0xFFFFC000  }
0x37: {  	_ =	swait.ge [sflag:s9], $0x4000  }
0x38: {  	[sflag:s9] =	ssyncset.done $0x0  }
0x39: {  	[sflag:s9] =	ssyncadd.s32 $0xFFFFC000  }
0x3a: {  	s26 =	simm.s32 $0x0;
	s28 =	simm.s32 $0x5;
	[bflag:$0x0] =	sbarrier.arrive $0xFFFF  }
0x3b: {  	[tilespmem:s26], [sflag:$0x5] =	stream.linear.gather [hbm4b:s11+s26], $0x1400, $0x38;
	[tilespmem:$0x1E800] =	vst v63  }
0x3c: {  	_ =	swait.ge [sflag:s28], $0x1400  }
0x3d: {  	[sflag:s28] =	ssyncset.done $0x0  }
0x3e: {  	s29 =	simm.s32 $0x1400;
	[sflag:s28] =	ssyncadd.s32 $0xFFFFEC00  }
0x3f: {  	[tilespmem:s29], [sflag:$0x5] =	stream.linear.gather [hbm4b:s10+s26], $0x1400, $0x38;
	[tilespmem:$0x1E800] =	vst v63  }
0x40: {  	_ =	swait.ge [sflag:s28], $0x1400  }
0x41: {  	[sflag:s28] =	ssyncset.done $0x0  }
0x42: {  	s10 =	simm.s32 $0x80;
	[sflag:s28] =	ssyncadd.s32 $0xFFFFEC00  }
0x43: {  	[tilespmem:s8], [sflag:$0x1] =	stream.indirect.gather [hbm4b:s5+s10], $0x80, s26, s10, $0xb8;
	[tilespmem:$0x1E800] =	vst v63  }
0x44: {  	s12 =	simm.s32 $0x1;
	s11 =	simm.s32 $0x6800  }
0x45: {  	[tilespmem:s11], [sflag:$0x2] =	stream.indirect.gather [hbm4b:s5+s10], $0x80, s10, s10, $0xb8;
	[tilespmem:$0x1E800] =	vst v63  }
0x46: {  	_ =	swait.ge [sflag:s12], $0x4000  }
0x47: {  	[sflag:s12] =	ssyncset.done $0x0  }
0x48: {  	s30 =	simm.s32 $0x1400;
	s13 =	simm.s32 $0x2;
	[sflag:s12] =	ssyncadd.s32 $0xFFFFC000  }
0x49: {  	[spmem:s2] =	stream.indirect.scatter.add.f32 [tilespmem:s8], [sflag:$0x3], $0x80, s30, s10, $0xb8;
	[tilespmem:$0x1E800] =	vst v63  }
0x4a: {  	_ =	swait.ge [sflag:s13], $0x4000  }
0x4b: {  	[sflag:s13] =	ssyncset.done $0x0  }
0x4c: {  	s31 =	simm.s32 $0x1480;
	[sflag:s13] =	ssyncadd.s32 $0xFFFFC000  }
0x4d: {  	[spmem:s2] =	stream.indirect.scatter.add.f32 [tilespmem:s11], [sflag:$0x4], $0x80, s31, s10, $0xb8;
	[tilespmem:$0x1E800] =	vst v63  }
0x4e: {  	_ =	swait.ge [sflag:s9], $0x4000  }
0x4f: {  	[sflag:s9] =	ssyncset.done $0x0  }
0x50: {  	s15 =	simm.s32 $0x100;
	s14 =	simm.s32 $0x4;
	[sflag:s9] =	ssyncadd.s32 $0xFFFFC000  }
0x51: {  	[tilespmem:s8], [sflag:$0x1] =	stream.indirect.gather [hbm4b:s5+s10], $0x80, s15, s10, $0xb8;
	[tilespmem:$0x1E800] =	vst v63  }
0x52: {  	_ =	swait.ge [sflag:s14], $0x4000  }
0x53: {  	[sflag:s14] =	ssyncset.done $0x0  }
0x54: {  	s16 =	simm.s32 $0x180;
	s15 =	simm.s32 $0x400;
	[sflag:s14] =	ssyncadd.s32 $0xFFFFC000  }
.LBB2_4:
0x55: {  	[tilespmem:s11], [sflag:$0x2] =	stream.indirect.gather [hbm4b:s5+s10], $0x80, s16, s10, $0xb8;
	[tilespmem:$0x1E800] =	vst v63  }
0x56: {  	s16 =	smov.u32 s15  }
0x57: {  	p0 =	sne.s32 s15, $0x4800;
	s15 =	sadd.s32 $0x400, s15;
	_ =	swait.ge [sflag:s12], $0x4000  }
0x58: {  	s16 =	sshra.s32 s16, $0x2;
	[sflag:s12] =	ssyncset.done $0x0  }
0x59: {  	s17 =	sadd.s32 $0x1400, s16;
	[sflag:s12] =	ssyncadd.s32 $0xFFFFC000  }
0x5a: {  	[spmem:s2] =	stream.indirect.scatter.add.f32 [tilespmem:s8], [sflag:$0x3], $0x80, s17, s10, $0xb8;
	[tilespmem:$0x1E800] =	vst v63  }
0x5b: {  	_ =	swait.ge [sflag:s13], $0x4000  }
0x5c: {  	[sflag:s13] =	ssyncset.done $0x0  }
0x5d: {  	s17 =	sadd.s32 $0x1480, s16;
	[sflag:s13] =	ssyncadd.s32 $0xFFFFC000  }
0x5e: {  	[spmem:s2] =	stream.indirect.scatter.add.f32 [tilespmem:s11], [sflag:$0x4], $0x80, s17, s10, $0xb8;
	[tilespmem:$0x1E800] =	vst v63  }
0x5f: {  	_ =	swait.ge [sflag:s9], $0x4000  }
0x60: {  	[sflag:s9] =	ssyncset.done $0x0  }
.Ltmp2:
0x61: {  	s17 =	sadd.s32 $0x100, s16;
	[sflag:s9] =	ssyncadd.s32 $0xFFFFC000;
	(pc) =	sbr.rel @p0 .LBB2_4-.Ltmp2, $4  }
0x62: {  	[tilespmem:s8], [sflag:$0x1] =	stream.indirect.gather [hbm4b:s5+s10], $0x80, s17, s10, $0xb8;
	[tilespmem:$0x1E800] =	vst v63  }
0x63: {  	_ =	swait.ge [sflag:s14], $0x4000  }
0x64: {  	[sflag:s14] =	ssyncset.done $0x0  }
0x65: {  	s16 =	sadd.s32 $0x180, s16;
	[sflag:s14] =	ssyncadd.s32 $0xFFFFC000  }
0x66: {  	[tilespmem:s11], [sflag:$0x2] =	stream.indirect.gather [hbm4b:s5+s10], $0x80, s16, s10, $0xb8;
	[tilespmem:$0x1E800] =	vst v63  }
0x67: {  	s8 =	simm.s32 $0x1  }
0x68: {  	_ =	swait.ge [sflag:s8], $0x4000  }
0x69: {  	s9 =	simm.s32 $0x80;
	s25 =	simm.s32 $0x2700;
	[sflag:s8] =	ssyncset.done $0x0  }
0x6a: {  	s10 =	simm.s32 $0x2800;
	s11 =	simm.s32 $0x2;
	[sflag:s8] =	ssyncadd.s32 $0xFFFFC000  }
0x6b: {  	[spmem:s2] =	stream.indirect.scatter.add.f32 [tilespmem:s10], [sflag:$0x3], $0x80, s25, s9, $0xb8;
	[tilespmem:$0x1E800] =	vst v63  }
0x6c: {  	_ =	swait.ge [sflag:s11], $0x4000  }
0x6d: {  	[sflag:s11] =	ssyncset.done $0x0  }
0x6e: {  	s13 =	simm.s32 $0x2780;
	s12 =	simm.s32 $0x6800;
	[sflag:s11] =	ssyncadd.s32 $0xFFFFC000  }
0x6f: {  	[spmem:s2] =	stream.indirect.scatter.add.f32 [tilespmem:s12], [sflag:$0x4], $0x80, s13, s9, $0xb8;
	[tilespmem:$0x1E800] =	vst v63  }
0x70: {  	s13 =	simm.s32 $0x3  }
0x71: {  	_ =	swait.ge [sflag:s13], $0x4000  }
0x72: {  	[sflag:s13] =	ssyncset.done $0x0  }
0x73: {  	s14 =	simm.s32 $0x4;
	[sflag:s13] =	ssyncadd.s32 $0xFFFFC000  }
0x74: {  	_ =	swait.ge [sflag:s14], $0x4000  }
0x75: {  	[sflag:s14] =	ssyncset.done $0x0  }
0x76: {  	s15 =	simm.s32 $0x0;
	s26 =	simm.s32 $0x5;
	[sflag:s14] =	ssyncadd.s32 $0xFFFFC000  }
0x77: {  	[tilespmem:s15], [sflag:$0x5] =	stream.linear.gather [hbm4b:s7+s15], $0x1400, $0x38;
	[tilespmem:$0x1E800] =	vst v63  }
0x78: {  	_ =	swait.ge [sflag:s26], $0x1400  }
0x79: {  	[sflag:s26] =	ssyncset.done $0x0  }
0x7a: {  	s28 =	simm.s32 $0x1400;
	[sflag:s26] =	ssyncadd.s32 $0xFFFFEC00  }
0x7b: {  	[tilespmem:s28], [sflag:$0x5] =	stream.linear.gather [hbm4b:s6+s15], $0x1400, $0x38;
	[tilespmem:$0x1E800] =	vst v63  }
0x7c: {  	_ =	swait.ge [sflag:s26], $0x1400  }
0x7d: {  	[sflag:s26] =	ssyncset.done $0x0  }
0x7e: {  	[sflag:s26] =	ssyncadd.s32 $0xFFFFEC00  }
0x7f: {  	[tilespmem:s10], [sflag:$0x1] =	stream.indirect.gather [hbm4b:s5+s9], $0x80, s15, s9, $0xb8;
	[tilespmem:$0x1E800] =	vst v63  }
0x80: {  	_ = 	snop  }
0x81: {  	[tilespmem:s12], [sflag:$0x2] =	stream.indirect.gather [hbm4b:s5+s9], $0x80, s9, s9, $0xb8;
	[tilespmem:$0x1E800] =	vst v63  }
0x82: {  	_ =	swait.ge [sflag:s8], $0x4000  }
0x83: {  	[sflag:s8] =	ssyncset.done $0x0  }
0x84: {  	s29 =	simm.s32 $0x1400;
	[sflag:s8] =	ssyncadd.s32 $0xFFFFC000  }
0x85: {  	[spmem:s2] =	stream.indirect.scatter.add.f32 [tilespmem:s10], [sflag:$0x3], $0x80, s29, s9, $0xb8;
	[tilespmem:$0x1E800] =	vst v63  }
0x86: {  	_ =	swait.ge [sflag:s11], $0x4000  }
0x87: {  	[sflag:s11] =	ssyncset.done $0x0  }
0x88: {  	s30 =	simm.s32 $0x1480;
	[sflag:s11] =	ssyncadd.s32 $0xFFFFC000  }
0x89: {  	[spmem:s2] =	stream.indirect.scatter.add.f32 [tilespmem:s12], [sflag:$0x4], $0x80, s30, s9, $0xb8;
	[tilespmem:$0x1E800] =	vst v63  }
0x8a: {  	_ =	swait.ge [sflag:s13], $0x4000  }
0x8b: {  	[sflag:s13] =	ssyncset.done $0x0  }
0x8c: {  	s31 =	simm.s32 $0x100;
	[sflag:s13] =	ssyncadd.s32 $0xFFFFC000  }
0x8d: {  	[tilespmem:s10], [sflag:$0x1] =	stream.indirect.gather [hbm4b:s5+s9], $0x80, s31, s9, $0xb8;
	[tilespmem:$0x1E800] =	vst v63  }
0x8e: {  	_ =	swait.ge [sflag:s14], $0x4000  }
0x8f: {  	[sflag:s14] =	ssyncset.done $0x0  }
0x90: {  	s7 =	simm.s32 $0x180;
	s6 =	simm.s32 $0x400;
	[sflag:s14] =	ssyncadd.s32 $0xFFFFC000  }
.LBB2_6:
0x91: {  	[tilespmem:s12], [sflag:$0x2] =	stream.indirect.gather [hbm4b:s5+s9], $0x80, s7, s9, $0xb8;
	[tilespmem:$0x1E800] =	vst v63  }
0x92: {  	s7 =	smov.u32 s6  }
0x93: {  	p0 =	sne.s32 s6, $0x4800;
	s6 =	sadd.s32 $0x400, s6;
	_ =	swait.ge [sflag:s8], $0x4000  }
0x94: {  	s7 =	sshra.s32 s7, $0x2;
	[sflag:s8] =	ssyncset.done $0x0  }
0x95: {  	s15 =	sadd.s32 $0x1400, s7;
	[sflag:s8] =	ssyncadd.s32 $0xFFFFC000  }
0x96: {  	[spmem:s2] =	stream.indirect.scatter.add.f32 [tilespmem:s10], [sflag:$0x3], $0x80, s15, s9, $0xb8;
	[tilespmem:$0x1E800] =	vst v63  }
0x97: {  	_ =	swait.ge [sflag:s11], $0x4000  }
0x98: {  	[sflag:s11] =	ssyncset.done $0x0  }
0x99: {  	s15 =	sadd.s32 $0x1480, s7;
	[sflag:s11] =	ssyncadd.s32 $0xFFFFC000  }
0x9a: {  	[spmem:s2] =	stream.indirect.scatter.add.f32 [tilespmem:s12], [sflag:$0x4], $0x80, s15, s9, $0xb8;
	[tilespmem:$0x1E800] =	vst v63  }
0x9b: {  	_ =	swait.ge [sflag:s13], $0x4000  }
0x9c: {  	[sflag:s13] =	ssyncset.done $0x0  }
.Ltmp3:
0x9d: {  	s15 =	sadd.s32 $0x100, s7;
	[sflag:s13] =	ssyncadd.s32 $0xFFFFC000;
	(pc) =	sbr.rel @p0 .LBB2_6-.Ltmp3, $4  }
0x9e: {  	[tilespmem:s10], [sflag:$0x1] =	stream.indirect.gather [hbm4b:s5+s9], $0x80, s15, s9, $0xb8;
	[tilespmem:$0x1E800] =	vst v63  }
0x9f: {  	_ =	swait.ge [sflag:s14], $0x4000  }
0xa0: {  	[sflag:s14] =	ssyncset.done $0x0  }
0xa1: {  	s7 =	sadd.s32 $0x180, s7;
	[sflag:s14] =	ssyncadd.s32 $0xFFFFC000  }
0xa2: {  	[tilespmem:s12], [sflag:$0x2] =	stream.indirect.gather [hbm4b:s5+s9], $0x80, s7, s9, $0xb8;
	[tilespmem:$0x1E800] =	vst v63  }
0xa3: {  	s21 =	simm.s32 $0x1  }
0xa4: {  	_ =	swait.ge [sflag:s21], $0x4000  }
0xa5: {  	s22 =	simm.s32 $0x80;
	s6 =	simm.s32 $0x2700;
	[sflag:s21] =	ssyncset.done $0x0  }
0xa6: {  	s23 =	simm.s32 $0x2800;
	s24 =	simm.s32 $0x2;
	[sflag:s21] =	ssyncadd.s32 $0xFFFFC000  }
0xa7: {  	[spmem:s2] =	stream.indirect.scatter.add.f32 [tilespmem:s23], [sflag:$0x3], $0x80, s6, s22, $0xb8;
	[tilespmem:$0x1E800] =	vst v63  }
0xa8: {  	_ =	swait.ge [sflag:s24], $0x4000  }
0xa9: {  	s25 =	simm.s32 $0x2780;
	[sflag:s24] =	ssyncset.done $0x0  }
0xaa: {  	s26 =	simm.s32 $0x6800;
	s28 =	simm.s32 $0x3;
	[sflag:s24] =	ssyncadd.s32 $0xFFFFC000  }
0xab: {  	[spmem:s2] =	stream.indirect.scatter.add.f32 [tilespmem:s26], [sflag:$0x4], $0x80, s25, s22, $0xb8;
	[tilespmem:$0x1E800] =	vst v63  }
0xac: {  	_ =	swait.ge [sflag:s28], $0x4000  }
0xad: {  	[sflag:s28] =	ssyncset.done $0x0  }
0xae: {  	s29 =	simm.s32 $0x4;
	[sflag:s28] =	ssyncadd.s32 $0xFFFFC000  }
0xaf: {  	_ =	swait.ge [sflag:s29], $0x4000  }
0xb0: {  	[sflag:s29] =	ssyncset.done $0x0  }
0xb1: {  	s30 =	sshll.u32 s1, $0x6;
	s3 =	sshrl.u32 s3, $0x3;
	[sflag:s29] =	ssyncadd.s32 $0xFFFFC000  }
0xb2: {  	s31 =	simm.s32 $0x5;
	s2 =	sor.u32 $0x1C05, s30;
	[bflag:$0x0] =	sbarrier.arrive $0xFFFF  }
0xb3: {  	[hbm:s4], [sflag:s2] =	dma.local [spmem:s3], $0x2800  }
0xb4: {  	_ =	swait.ge [sflag:s31], $0x2800  }
0xb5: {  	[sflag:s31] =	ssyncset.done $0x0  }
0xb6: {  	[sflag:s31] =	ssyncadd.s32 $0xFFFFD800  }
.LBB2_8:
0xb7: {  	_ =	sfence.sel $0x180000  }
0xb8: {  	[bflag:$0x0] =	sbarrier.arrive $0xFFFF  }
0xb9: {  	p0 =	sne.s32 s1, $0x0;
	_ =	strace $0x9000004A  }
0xba: {  	s0 =	sadd.s32 @!p0 $0x100000, s0;
	[bflag:$0x2] =	sbarrier.arrive $0xFFFF  }
0xbb: {  	[sflag:s0] =	ssyncadd.tile.s32 @!p0 $0x1;
	_ =	shalt  }
.Lfunc_end2:
_tile_overlayer_lowered:
.L_overlay_start_2:
0xbc: {  	(tag) =	ssettag $0x2  }
0xbd: {  	s0 =	rddreg [dreg:$0x0];
	s2 =	stileid.u32  }
0xbe: {  	s1 =	rddreg [dreg:$0x1];
	p0 =	sne.s32 s2, $0x0  }
0xbf: {  	s3 =	rddreg [dreg:$0x2];
	[bflag:$0x3] =	sbarrier.arrive $0xFFFF;
	s2 =	simm.s32 @!p0 $0x1C05  }
0xc0: {  	[timem:s3], [sflag:s2] =	dma.local @!p0 [hbm:s0], s1  }
0xc1: {  	s0 =	simm.s32 @!p0 $0x5  }
0xc2: {  	_ =	swait.ge @!p0 [sflag:s0], s1  }
0xc3: {  	s1 =	ssub.s32 @!p0 $0x0, s1;
	[sflag:s0] =	ssyncset.done @!p0 $0x0  }
0xc4: {  	[sflag:s0] =	ssyncadd.s32 @!p0 s1  }
0xc5: {  	[bflag:$0x3] =	sbarrier.arrive $0xFFFF  }
0xc6: {  	_ =	shalt  }

// kernel: kernel.7.cloned.1.call-start
scs
__scs_entry_jumppad:
0x0: {  	(pc) =	sbr.rel $0x88, $3  }
0x1: {  	(tag) =	ssettag $0x0;
	lr =	simm.s32 $0x1  }
0x2: {  	[smem:$0x3F98] =	sst lr;
	_ =	strace $0xD0000000  }
0x3: {  	_ = 	snop  }
0x4: {  	_ = 	snop  }
0x5: {  	_ = 	snop  }
0x6: {  	_ = 	snop  }
0x7: {  	_ = 	snop  }
__scs_overlays_trampoline_lowered:
0x8: {  	[smem:$0x3FA7] =	sst s0  }
0x9: {  	[smem:$0x3FA8] =	sst s1  }
0xa: {  	[smem:$0x3FA9] =	sst s2  }
0xb: {  	[smem:$0x3FAA] =	sst s3  }
0xc: {  	[smem:$0x3FAB] =	sst s4  }
0xd: {  	[smem:$0x3FAC] =	sst s5  }
0xe: {  	[smem:$0x3FAD] =	sst s6  }
0xf: {  	[smem:$0x3FAE] =	sst s7  }
0x10: {  	[smem:$0x3FAF] =	sst s8  }
0x11: {  	[smem:$0x3FB0] =	sst s9;
	s0 =	simm.s32 @!p0 $0x0  }
0x12: {  	s1 =	sld [smem:$0x3F96];
	s0 =	simm.s32 @p0 $0x1  }
0x13: {  	[smem:$0x3FB1] =	sst s0;
	s0 =	simm.s32 @!p1 $0x0  }
0x14: {  	s2 =	sld [smem:$0x3F95];
	s0 =	simm.s32 @p1 $0x1  }
0x15: {  	[smem:$0x3FB2] =	sst s0;
	s0 =	simm.s32 @!p2 $0x0  }
0x16: {  	s3 =	sld [smem:$0x3FDB];
	s0 =	simm.s32 @p2 $0x1  }
0x17: {  	s4 =	simm.s32 $0x1BF5;
	[smem:$0x3FB4] =	sst s0  }
0x18: {  	s0 =	sld [smem:$0x3F97];
	_ =	swait.ge [sflag:s4], $0x0  }
0x19: {  	s7 =	sld [smem:$0x3F98]  }
0x1a: {  	s8 =	sadd.s32 $0xFFFFE003, lr  }
0x1b: {  	s9 =	sadd.s32 $0xFFFFFEF7, lr;
	s5 =	simm.s32 $0xFFFFFFFF;
	p2 =	slt.u32 s8, $0xFFFFF086  }
0x1c: {  	p1 =	slt.u32 s9, $0xF7A;
	s5 =	simm.s32 @!p2 $0x0  }
0x1d: {  	s5 =	simm.s32 @p1 $0x1;
	p0 =	seq.s32 s7, s2  }
0x1e: {  	s7 =	smul.u32 @!p0 $0xF7A, s2;
	p2 =	seq.s32 @!p0 s5, $0x0  }
0x1f: {  	s9 =	smul.u32 $0xF7A, s1;
	s8 =	simm.s32 @!p0 $0x1BF5;
	p2 =	por !p2, p0  }
0x20: {  	[sflag:s8] =	ssyncset.s32 @!p0 $0xFFFFF086;
	s6 =	sadd.s32 @!p0 s3, s7;
	s7 =	simm.s32 @!p0 $0x108  }
0x21: {  	s3 =	sadd.s32 s3, s9;
	s6 =	sadd.s32 @!p0 $0x88, s6;
	s7 =	simm.s32 @p2 $0x1082  }
0x22: {  	[simem:s7], [sflag:s8] =	dma.local @!p0 [hbm:s6], $0xF7A  }
0x23: {  	s9 =	sor.u32 $0xD0000000, s2;
	s6 =	simm.s32 $0x108;
	_ =	swait.ge @!p0 [sflag:s8], $0x0  }
0x24: {  	s3 =	sadd.s32 $0x88, s3;
	s6 =	simm.s32 @!p1 $0x1082;
	[sflag:s4] =	ssyncset.s32 $0xFFFFF086  }
0x25: {  	[simem:s6], [sflag:s4] =	dma.local [hbm:s3], $0xF7A  }
0x26: {  	[smem:$0x3F98] =	sst s1;
	(tag) =	ssettag s2;
	_ =	strace s9  }
0x27: {  	s1 =	sld [smem:$0x3FA8]  }
0x28: {  	s2 =	sld [smem:$0x3FA9]  }
0x29: {  	s4 =	sld [smem:$0x3FAB]  }
0x2a: {  	p0 =	seq.s32 s5, $0x0;
	s5 =	sld [smem:$0x3FAC]  }
0x2b: {  	s6 =	sld [smem:$0x3FAD]  }
0x2c: {  	s7 =	sld [smem:$0x3FAE]  }
0x2d: {  	s3 =	simm.s32 $0x108;
	s8 =	sld [smem:$0x3FAF]  }
0x2e: {  	s3 =	simm.s32 @!p0 $0x1082;
	s9 =	sld [smem:$0x3FB0]  }
0x2f: {  	lr =	sadd.s32 s0, s3;
	s0 =	sld [smem:$0x3FA7]  }
0x30: {  	s3 =	sld [smem:$0x3FAA]  }
0x31: {  	[smem:$0x3FB3] =	sst s10  }
0x32: {  	s10 =	sld [smem:$0x3FB1];
	_ =	sdelay $0x3  }
0x33: {  	p0 =	seq.s32 s10, $0x1;
	s10 =	sld [smem:$0x3FB3];
	_ =	sdelay $0x3  }
0x34: {  	[smem:$0x3FB3] =	sst s10  }
0x35: {  	s10 =	sld [smem:$0x3FB2];
	_ =	sdelay $0x3  }
0x36: {  	p1 =	seq.s32 s10, $0x1;
	s10 =	sld [smem:$0x3FB3];
	_ =	sdelay $0x3  }
0x37: {  	[smem:$0x3FB3] =	sst s10  }
0x38: {  	s10 =	sld [smem:$0x3FB4]  }
0x39: {  	_ = 	snop;
	(pc) =	sbr.ind lr, $3  }
0x3a: {  	_ = 	snop  }
0x3b: {  	_ = 	snop  }
0x3c: {  	p2 =	seq.s32 s10, $0x1;
	s10 =	sld [smem:$0x3FB3]  }
0x3d: {  	_ =	shalt  }
0x3e: {  	_ =	shalt  }
0x3f: {  	_ =	shalt  }
0x40: {  	_ =	shalt  }
0x41: {  	_ =	shalt  }
0x42: {  	_ =	shalt  }
0x43: {  	_ =	shalt  }
0x44: {  	_ =	shalt  }
0x45: {  	_ =	shalt  }
0x46: {  	_ =	shalt  }
0x47: {  	_ =	shalt  }
0x48: {  	_ =	shalt  }
0x49: {  	_ =	shalt  }
0x4a: {  	_ =	shalt  }
0x4b: {  	_ =	shalt  }
0x4c: {  	_ =	shalt  }
0x4d: {  	_ =	shalt  }
0x4e: {  	_ =	shalt  }
0x4f: {  	_ =	shalt  }
0x50: {  	_ =	shalt  }
0x51: {  	_ =	shalt  }
0x52: {  	_ =	shalt  }
0x53: {  	_ =	shalt  }
0x54: {  	_ =	shalt  }
0x55: {  	_ =	shalt  }
0x56: {  	_ =	shalt  }
0x57: {  	_ =	shalt  }
0x58: {  	_ =	shalt  }
0x59: {  	_ =	shalt  }
0x5a: {  	_ =	shalt  }
0x5b: {  	_ =	shalt  }
0x5c: {  	_ =	shalt  }
0x5d: {  	_ =	shalt  }
0x5e: {  	_ =	shalt  }
0x5f: {  	_ =	shalt  }
0x60: {  	_ =	shalt  }
0x61: {  	_ =	shalt  }
0x62: {  	_ =	shalt  }
0x63: {  	_ =	shalt  }
0x64: {  	_ =	shalt  }
0x65: {  	_ =	shalt  }
0x66: {  	_ =	shalt  }
0x67: {  	_ =	shalt  }
0x68: {  	_ =	shalt  }
0x69: {  	_ =	shalt  }
0x6a: {  	_ =	shalt  }
0x6b: {  	_ =	shalt  }
0x6c: {  	_ =	shalt  }
0x6d: {  	_ =	shalt  }
0x6e: {  	_ =	shalt  }
0x6f: {  	_ =	shalt  }
0x70: {  	_ =	shalt  }
0x71: {  	_ =	shalt  }
0x72: {  	_ =	shalt  }
0x73: {  	_ =	shalt  }
0x74: {  	_ =	shalt  }
0x75: {  	_ =	shalt  }
0x76: {  	_ =	shalt  }
0x77: {  	_ =	shalt  }
0x78: {  	_ =	shalt  }
0x79: {  	_ =	shalt  }
0x7a: {  	_ =	shalt  }
0x7b: {  	_ =	shalt  }
0x7c: {  	_ =	shalt  }
0x7d: {  	_ =	shalt  }
0x7e: {  	_ =	shalt  }
0x7f: {  	_ =	shalt  }
0x80: {  	_ =	shalt  }
0x81: {  	_ =	shalt  }
0x82: {  	_ =	shalt  }
0x83: {  	_ =	shalt  }
0x84: {  	_ =	shalt  }
0x85: {  	_ =	shalt  }
0x86: {  	_ =	shalt  }
0x87: {  	_ =	shalt  }
.Lfunc_end0:
.L_simem_size_0:
called_computation_lowered:
.L_overlay_start_0:
0x88: {  	s2 =	sld [smem:$0x3FD9]  }
0x89: {  	s3 =	sld [smem:$0x3FFE];
	_ =	sdelay $0x1  }
0x8a: {  	s1 =	srdreg.scid  }
0x8b: {  	s0 =	sand.u32 $0x1, s1  }
0x8c: {  	s17 =	sshll.u32 s0, $0xA;
	s2 =	sadd.s32 s3, s2  }
0x8d: {  	s2 =	sadd.s32 s2, s17  }
0x8e: {  	[smem:$0x3FBF] =	sst s2  }
0x8f: {  	_ = 	snop  }
0x90: {  	s2 =	sld [smem:$0x3FD0];
	(tm) =	ssettm $0x1  }
0x91: {  	s18 =	sld [smem:$0x3FFB];
	_ =	sdelay $0x3  }
0x92: {  	_ =	strace s18  }
0x93: {  	s3 =	sld [smem:$0x3FFC];
	_ =	sdelay $0x3  }
0x94: {  	_ =	strace s3  }
0x95: {  	s3 =	sld [smem:$0x3FFD];
	_ =	sdelay $0x3  }
0x96: {  	_ =	strace s3  }
0x97: {  	_ =	strace $0x8FFFFFFF  }
0x98: {  	s19 =	sld [smem:$0x3FDB];
	_ =	sdelay $0x1  }
0x99: {  	s4 =	simm.s32 $_scs_section_size  }
0x9a: {  	s5 =	simm.s32 $_size__tile_overlayer_lowered;
	s6 =	simm.s32 $_tile_overlayer_lowered  }
0x9b: {  	s22 =	simm.s32 $0x1BFF;
	s21 =	sshll.u32 s6, $0x1;
	s3 =	sadd.s32 s4, s19  }
0x9c: {  	s7 =	simm.s32 $0x0;
	s20 =	sshll.u32 s5, $0x1;
	s5 =	sadd.s32 s21, s3  }
0x9d: {  	[timem:s7], [sflag:s22] =	dma.local [hbm:s5], s20  }
0x9e: {  	_ =	swait.ge [sflag:s22], s20  }
0x9f: {  	s4 =	ssub.s32 $0x0, s20;
	[sflag:s22] =	ssyncset.done $0x0  }
0xa0: {  	[sflag:s22] =	ssyncadd.s32 s4;
	_ =	sdelay $0x1  }
0xa1: {  	s23 =	simm.s32 $0x1B8B  }
0xa2: {  	_ =	swait.ge [sflag:s23], $0x1  }
0xa3: {  	[sflag:s23] =	ssyncset.done $0x0  }
0xa4: {  	s25 =	simm.s32 $0x1B8E;
	s24 =	sld [smem:$0x3FFE];
	[sflag:s23] =	ssyncadd.s32 $0xFFFFFFFF  }
0xa5: {  	s26 =	simm.s32 $execute0_lowered;
	[smem:$0x3FD2] =	sst s25  }
0xa6: {  	s5 =	sshll.u32 s26, $0x1;
	_ =	strace $0x80000046;
	[dreg:$0x1] =	wrdreg $0xFFFFFFFF  }
0xa7: {  	s28 =	simm.s32 $_size_execute0_lowered;
	s3 =	sadd.s32 s3, s5;
	[dreg:$0x0] =	wrdreg $0x0  }
0xa8: {  	s5 =	sshll.u32 s28, $0x1;
	[dreg:$0x2] =	wrdreg s3  }
0xa9: {  	[dreg:$0x3] =	wrdreg s5  }
0xaa: {  	[dreg:$0x4] =	wrdreg $0xC0  }
0xab: {  	_ =	task [dreg:s7], $0x5FFFF  }
0xac: {  	[dreg:$0x1] =	wrdreg $0xFFFFFFFF  }
0xad: {  	[dreg:$0x0] =	wrdreg $0x60  }
0xae: {  	[dreg:$0x2] =	wrdreg s24  }
0xaf: {  	[dreg:$0x3] =	wrdreg s2  }
0xb0: {  	[dreg:$0x4] =	wrdreg $0xA8000  }
0xb1: {  	[dreg:$0x5] =	wrdreg $0x9  }
0xb2: {  	_ =	task.clear_ibuf [dreg:s7], $0x6FFFF;
	_ =	strace $0x90000046  }
0xb3: {  	s29 =	simm.s32 $0x9;
	_ =	strace $0x80000048  }
0xb4: {  	_ =	swait.ge [sflag:s29], $0x1  }
0xb5: {  	[sflag:s29] =	ssyncadd.s32 $0xFFFFFFFF  }
0xb6: {  	_ =	strace $0x90000048  }
0xb7: {  	_ =	sfence  }
0xb8: {  	s30 =	sld [smem:$0x0];
	_ =	sdelay $0x2  }
0xb9: {  	s31 =	sshll.u32 s1, $0xD;
	s1 =	sshrl.u32 s1, $0x2  }
0xba: {  	s3 =	sand.u32 $0x4000, s31;
	s1 =	sadd.s32 s1, s30  }
0xbb: {  	s0 =	sor.u32 s3, s0;
	s1 =	sshll.u32 s1, $0x11  }
0xbc: {  	s0 =	sor.u32 s1, s0  }
0xbd: {  	s0 =	sadd.s32 $0x8F2B, s0  }
0xbe: {  	[sflag:s0] =	ssyncadd.remote.s32 $0x1  }
0xbf: {  	_ =	sfence.sel $0xFFFF  }
0xc0: {  	[dreg:$0x0] =	wrdreg $0xFFFFFFFF;
	(pc) =	sbr.abs _section_cstart, $3  }
0xc1: {  	[dreg:$0x1] =	wrdreg $0xFFFFFFFF  }
0xc2: {  	_ =	task.clear_ibuf [dreg:s7], $0x2FFFF;
	_ =	strace $0x9FFFFFFF  }
0xc3: {  	(tm) =	ssettm $0x7FFFFFFF  }
tec
execute0_lowered:
.L_overlay_start_1:
0x0: {  	(tag) =	ssettag $0x1  }
0x1: {  	s1 =	srdreg.scid  }
0x2: {  	s1 =	sand.u32 $0x1, s1  }
0x3: {  	p0 =	seq.s32 s1, $0x1  }
.Ltmp0:
0x4: {  	s6 =	rddreg [dreg:$0x0];
	(pc) =	sbr.rel @p0 .LBB2_8-.Ltmp0, $4  }
0x5: {  	s4 =	rddreg [dreg:$0x1]  }
0x6: {  	s2 =	rddreg [dreg:$0x2];
	s3 =	simm.s32 $0x0  }
0x7: {  	[smem:$0x7FF] =	sst s3  }
0x8: {  	s0 =	rddreg [dreg:$0x3];
	_ =	strace $0x80000047;
	s1 =	stileid.u32  }
0x9: {  	s3 =	smul.u32 $0x50000, s1  }
0xa: {  	s8 =	smul.u32 $0x2800, s1  }
0xb: {  	s10 =	smul.u32 $0x500, s1  }
0xc: {  	s5 =	sadd.s32 $0xB400, s6;
	s7 =	sadd.s32 $0x6400, s6;
	s31 =	sadd.s32 $0x1400, s6  }
0xd: {  	s3 =	sshrl.u32 s3, $0x2;
	s15 =	sshrl.u32 s8, $0x3;
	s11 =	sadd.s32 s7, s10  }
0xe: {  	s10 =	sadd.s32 s31, s10;
	s4 =	sadd.s32 s4, s8;
	s3 =	sadd.s32 s3, s2  }
0xf: {  	s8 =	simm.s32 $0x0;
	s15 =	sadd.s32 $0x280, s15;
	s9 =	sadd.s32 $0x4000, s3  }
0x10: {  	s12 =	sadd.s32 $0x8000, s3;
	s13 =	sadd.s32 $0xC000, s3;
	s14 =	sadd.s32 $0x10000, s3  }
0x11: {  	v0 =	vimm.f32 $0.0e+00;
	s7 =	sadd.s32 s7, s15;
	s6 =	sadd.s32 s31, s15;
	s15 =	simm.s32 $0x200  }
.LBB2_2:
0x12: {  	p0 =	sne.s32 s15, $0xFE00;
	[tilespmem:s8+$0x2870] =	vst v0  }
0x13: {  	[tilespmem:s8+$0x2800] =	vst v0  }
0x14: {  	[tilespmem:s8+$0x2810] =	vst v0  }
.Ltmp1:
0x15: {  	[tilespmem:s8+$0x2820] =	vst v0;
	(pc) =	sbr.rel @p0 .LBB2_2-.Ltmp1, $4  }
0x16: {  	[tilespmem:s8+$0x2830] =	vst v0  }
0x17: {  	[tilespmem:s8+$0x2840] =	vst v0  }
0x18: {  	[tilespmem:s8+$0x2850] =	vst v0  }
0x19: {  	[tilespmem:s8+$0x2860] =	vst v0;
	s8 =	sshra.s32 s15, $0x2;
	s15 =	sadd.s32 $0x200, s15  }
0x1a: {  	[tilespmem:s8+$0x2870] =	vst v0  }
0x1b: {  	[tilespmem:s8+$0x2800] =	vst v0  }
0x1c: {  	[tilespmem:s8+$0x2810] =	vst v0  }
0x1d: {  	[tilespmem:s8+$0x2820] =	vst v0  }
0x1e: {  	[tilespmem:s8+$0x2830] =	vst v0  }
0x1f: {  	[tilespmem:s8+$0x2840] =	vst v0  }
0x20: {  	[tilespmem:s8+$0x2850] =	vst v0  }
0x21: {  	[tilespmem:s8+$0x2860] =	vst v0;
	s8 =	simm.s32 $0x2800  }
0x22: {  	[spmem:s3] =	stream.linear.scatter [tilespmem:s8], [sflag:$0x3], $0x4000, $0x38;
	[tilespmem:$0x1E800] =	vst v63  }
0x23: {  	_ = 	snop  }
0x24: {  	[spmem:s9] =	stream.linear.scatter [tilespmem:s8], [sflag:$0x3], $0x4000, $0x38;
	[tilespmem:$0x1E800] =	vst v63  }
0x25: {  	_ = 	snop  }
0x26: {  	[spmem:s12] =	stream.linear.scatter [tilespmem:s8], [sflag:$0x3], $0x4000, $0x38;
	[tilespmem:$0x1E800] =	vst v63  }
0x27: {  	_ = 	snop  }
0x28: {  	[spmem:s13] =	stream.linear.scatter [tilespmem:s8], [sflag:$0x3], $0x4000, $0x38;
	[tilespmem:$0x1E800] =	vst v63  }
0x29: {  	s9 =	simm.s32 $0x3  }
0x2a: {  	[spmem:s14] =	stream.linear.scatter [tilespmem:s8], [sflag:$0x3], $0x4000, $0x38;
	[tilespmem:$0x1E800] =	vst v63  }
0x2b: {  	_ =	swait.ge [sflag:s9], $0x4000  }
0x2c: {  	[sflag:s9] =	ssyncset.done $0x0  }
0x2d: {  	[sflag:s9] =	ssyncadd.s32 $0xFFFFC000  }
0x2e: {  	_ =	swait.ge [sflag:s9], $0x4000  }
0x2f: {  	[sflag:s9] =	ssyncset.done $0x0  }
0x30: {  	[sflag:s9] =	ssyncadd.s32 $0xFFFFC000  }
0x31: {  	_ =	swait.ge [sflag:s9], $0x4000  }
0x32: {  	[sflag:s9] =	ssyncset.done $0x0  }
0x33: {  	[sflag:s9] =	ssyncadd.s32 $0xFFFFC000  }
0x34: {  	_ =	swait.ge [sflag:s9], $0x4000  }
0x35: {  	[sflag:s9] =	ssyncset.done $0x0  }
0x36: {  	[sflag:s9] =	ssyncadd.s32 $0xFFFFC000  }
0x37: {  	_ =	swait.ge [sflag:s9], $0x4000  }
0x38: {  	[sflag:s9] =	ssyncset.done $0x0  }
0x39: {  	[sflag:s9] =	ssyncadd.s32 $0xFFFFC000  }
0x3a: {  	s26 =	simm.s32 $0x0;
	s28 =	simm.s32 $0x5;
	[bflag:$0x0] =	sbarrier.arrive $0xFFFF  }
0x3b: {  	[tilespmem:s26], [sflag:$0x5] =	stream.linear.gather [hbm4b:s11+s26], $0x1400, $0x38;
	[tilespmem:$0x1E800] =	vst v63  }
0x3c: {  	_ =	swait.ge [sflag:s28], $0x1400  }
0x3d: {  	[sflag:s28] =	ssyncset.done $0x0  }
0x3e: {  	s29 =	simm.s32 $0x1400;
	[sflag:s28] =	ssyncadd.s32 $0xFFFFEC00  }
0x3f: {  	[tilespmem:s29], [sflag:$0x5] =	stream.linear.gather [hbm4b:s10+s26], $0x1400, $0x38;
	[tilespmem:$0x1E800] =	vst v63  }
0x40: {  	_ =	swait.ge [sflag:s28], $0x1400  }
0x41: {  	[sflag:s28] =	ssyncset.done $0x0  }
0x42: {  	s10 =	simm.s32 $0x80;
	[sflag:s28] =	ssyncadd.s32 $0xFFFFEC00  }
0x43: {  	[tilespmem:s8], [sflag:$0x1] =	stream.indirect.gather [hbm4b:s5+s10], $0x80, s26, s10, $0xb8;
	[tilespmem:$0x1E800] =	vst v63  }
0x44: {  	s12 =	simm.s32 $0x1;
	s11 =	simm.s32 $0x6800  }
0x45: {  	[tilespmem:s11], [sflag:$0x2] =	stream.indirect.gather [hbm4b:s5+s10], $0x80, s10, s10, $0xb8;
	[tilespmem:$0x1E800] =	vst v63  }
0x46: {  	_ =	swait.ge [sflag:s12], $0x4000  }
0x47: {  	[sflag:s12] =	ssyncset.done $0x0  }
0x48: {  	s30 =	simm.s32 $0x1400;
	s13 =	simm.s32 $0x2;
	[sflag:s12] =	ssyncadd.s32 $0xFFFFC000  }
0x49: {  	[spmem:s2] =	stream.indirect.scatter.add.f32 [tilespmem:s8], [sflag:$0x3], $0x80, s30, s10, $0xb8;
	[tilespmem:$0x1E800] =	vst v63  }
0x4a: {  	_ =	swait.ge [sflag:s13], $0x4000  }
0x4b: {  	[sflag:s13] =	ssyncset.done $0x0  }
0x4c: {  	s31 =	simm.s32 $0x1480;
	[sflag:s13] =	ssyncadd.s32 $0xFFFFC000  }
0x4d: {  	[spmem:s2] =	stream.indirect.scatter.add.f32 [tilespmem:s11], [sflag:$0x4], $0x80, s31, s10, $0xb8;
	[tilespmem:$0x1E800] =	vst v63  }
0x4e: {  	_ =	swait.ge [sflag:s9], $0x4000  }
0x4f: {  	[sflag:s9] =	ssyncset.done $0x0  }
0x50: {  	s15 =	simm.s32 $0x100;
	s14 =	simm.s32 $0x4;
	[sflag:s9] =	ssyncadd.s32 $0xFFFFC000  }
0x51: {  	[tilespmem:s8], [sflag:$0x1] =	stream.indirect.gather [hbm4b:s5+s10], $0x80, s15, s10, $0xb8;
	[tilespmem:$0x1E800] =	vst v63  }
0x52: {  	_ =	swait.ge [sflag:s14], $0x4000  }
0x53: {  	[sflag:s14] =	ssyncset.done $0x0  }
0x54: {  	s16 =	simm.s32 $0x180;
	s15 =	simm.s32 $0x400;
	[sflag:s14] =	ssyncadd.s32 $0xFFFFC000  }
.LBB2_4:
0x55: {  	[tilespmem:s11], [sflag:$0x2] =	stream.indirect.gather [hbm4b:s5+s10], $0x80, s16, s10, $0xb8;
	[tilespmem:$0x1E800] =	vst v63  }
0x56: {  	s16 =	smov.u32 s15  }
0x57: {  	p0 =	sne.s32 s15, $0x4800;
	s15 =	sadd.s32 $0x400, s15;
	_ =	swait.ge [sflag:s12], $0x4000  }
0x58: {  	s16 =	sshra.s32 s16, $0x2;
	[sflag:s12] =	ssyncset.done $0x0  }
0x59: {  	s17 =	sadd.s32 $0x1400, s16;
	[sflag:s12] =	ssyncadd.s32 $0xFFFFC000  }
0x5a: {  	[spmem:s2] =	stream.indirect.scatter.add.f32 [tilespmem:s8], [sflag:$0x3], $0x80, s17, s10, $0xb8;
	[tilespmem:$0x1E800] =	vst v63  }
0x5b: {  	_ =	swait.ge [sflag:s13], $0x4000  }
0x5c: {  	[sflag:s13] =	ssyncset.done $0x0  }
0x5d: {  	s17 =	sadd.s32 $0x1480, s16;
	[sflag:s13] =	ssyncadd.s32 $0xFFFFC000  }
0x5e: {  	[spmem:s2] =	stream.indirect.scatter.add.f32 [tilespmem:s11], [sflag:$0x4], $0x80, s17, s10, $0xb8;
	[tilespmem:$0x1E800] =	vst v63  }
0x5f: {  	_ =	swait.ge [sflag:s9], $0x4000  }
0x60: {  	[sflag:s9] =	ssyncset.done $0x0  }
.Ltmp2:
0x61: {  	s17 =	sadd.s32 $0x100, s16;
	[sflag:s9] =	ssyncadd.s32 $0xFFFFC000;
	(pc) =	sbr.rel @p0 .LBB2_4-.Ltmp2, $4  }
0x62: {  	[tilespmem:s8], [sflag:$0x1] =	stream.indirect.gather [hbm4b:s5+s10], $0x80, s17, s10, $0xb8;
	[tilespmem:$0x1E800] =	vst v63  }
0x63: {  	_ =	swait.ge [sflag:s14], $0x4000  }
0x64: {  	[sflag:s14] =	ssyncset.done $0x0  }
0x65: {  	s16 =	sadd.s32 $0x180, s16;
	[sflag:s14] =	ssyncadd.s32 $0xFFFFC000  }
0x66: {  	[tilespmem:s11], [sflag:$0x2] =	stream.indirect.gather [hbm4b:s5+s10], $0x80, s16, s10, $0xb8;
	[tilespmem:$0x1E800] =	vst v63  }
0x67: {  	s8 =	simm.s32 $0x1  }
0x68: {  	_ =	swait.ge [sflag:s8], $0x4000  }
0x69: {  	s9 =	simm.s32 $0x80;
	s25 =	simm.s32 $0x2700;
	[sflag:s8] =	ssyncset.done $0x0  }
0x6a: {  	s10 =	simm.s32 $0x2800;
	s11 =	simm.s32 $0x2;
	[sflag:s8] =	ssyncadd.s32 $0xFFFFC000  }
0x6b: {  	[spmem:s2] =	stream.indirect.scatter.add.f32 [tilespmem:s10], [sflag:$0x3], $0x80, s25, s9, $0xb8;
	[tilespmem:$0x1E800] =	vst v63  }
0x6c: {  	_ =	swait.ge [sflag:s11], $0x4000  }
0x6d: {  	[sflag:s11] =	ssyncset.done $0x0  }
0x6e: {  	s13 =	simm.s32 $0x2780;
	s12 =	simm.s32 $0x6800;
	[sflag:s11] =	ssyncadd.s32 $0xFFFFC000  }
0x6f: {  	[spmem:s2] =	stream.indirect.scatter.add.f32 [tilespmem:s12], [sflag:$0x4], $0x80, s13, s9, $0xb8;
	[tilespmem:$0x1E800] =	vst v63  }
0x70: {  	s13 =	simm.s32 $0x3  }
0x71: {  	_ =	swait.ge [sflag:s13], $0x4000  }
0x72: {  	[sflag:s13] =	ssyncset.done $0x0  }
0x73: {  	s14 =	simm.s32 $0x4;
	[sflag:s13] =	ssyncadd.s32 $0xFFFFC000  }
0x74: {  	_ =	swait.ge [sflag:s14], $0x4000  }
0x75: {  	[sflag:s14] =	ssyncset.done $0x0  }
0x76: {  	s15 =	simm.s32 $0x0;
	s26 =	simm.s32 $0x5;
	[sflag:s14] =	ssyncadd.s32 $0xFFFFC000  }
0x77: {  	[tilespmem:s15], [sflag:$0x5] =	stream.linear.gather [hbm4b:s7+s15], $0x1400, $0x38;
	[tilespmem:$0x1E800] =	vst v63  }
0x78: {  	_ =	swait.ge [sflag:s26], $0x1400  }
0x79: {  	[sflag:s26] =	ssyncset.done $0x0  }
0x7a: {  	s28 =	simm.s32 $0x1400;
	[sflag:s26] =	ssyncadd.s32 $0xFFFFEC00  }
0x7b: {  	[tilespmem:s28], [sflag:$0x5] =	stream.linear.gather [hbm4b:s6+s15], $0x1400, $0x38;
	[tilespmem:$0x1E800] =	vst v63  }
0x7c: {  	_ =	swait.ge [sflag:s26], $0x1400  }
0x7d: {  	[sflag:s26] =	ssyncset.done $0x0  }
0x7e: {  	[sflag:s26] =	ssyncadd.s32 $0xFFFFEC00  }
0x7f: {  	[tilespmem:s10], [sflag:$0x1] =	stream.indirect.gather [hbm4b:s5+s9], $0x80, s15, s9, $0xb8;
	[tilespmem:$0x1E800] =	vst v63  }
0x80: {  	_ = 	snop  }
0x81: {  	[tilespmem:s12], [sflag:$0x2] =	stream.indirect.gather [hbm4b:s5+s9], $0x80, s9, s9, $0xb8;
	[tilespmem:$0x1E800] =	vst v63  }
0x82: {  	_ =	swait.ge [sflag:s8], $0x4000  }
0x83: {  	[sflag:s8] =	ssyncset.done $0x0  }
0x84: {  	s29 =	simm.s32 $0x1400;
	[sflag:s8] =	ssyncadd.s32 $0xFFFFC000  }
0x85: {  	[spmem:s2] =	stream.indirect.scatter.add.f32 [tilespmem:s10], [sflag:$0x3], $0x80, s29, s9, $0xb8;
	[tilespmem:$0x1E800] =	vst v63  }
0x86: {  	_ =	swait.ge [sflag:s11], $0x4000  }
0x87: {  	[sflag:s11] =	ssyncset.done $0x0  }
0x88: {  	s30 =	simm.s32 $0x1480;
	[sflag:s11] =	ssyncadd.s32 $0xFFFFC000  }
0x89: {  	[spmem:s2] =	stream.indirect.scatter.add.f32 [tilespmem:s12], [sflag:$0x4], $0x80, s30, s9, $0xb8;
	[tilespmem:$0x1E800] =	vst v63  }
0x8a: {  	_ =	swait.ge [sflag:s13], $0x4000  }
0x8b: {  	[sflag:s13] =	ssyncset.done $0x0  }
0x8c: {  	s31 =	simm.s32 $0x100;
	[sflag:s13] =	ssyncadd.s32 $0xFFFFC000  }
0x8d: {  	[tilespmem:s10], [sflag:$0x1] =	stream.indirect.gather [hbm4b:s5+s9], $0x80, s31, s9, $0xb8;
	[tilespmem:$0x1E800] =	vst v63  }
0x8e: {  	_ =	swait.ge [sflag:s14], $0x4000  }
0x8f: {  	[sflag:s14] =	ssyncset.done $0x0  }
0x90: {  	s7 =	simm.s32 $0x180;
	s6 =	simm.s32 $0x400;
	[sflag:s14] =	ssyncadd.s32 $0xFFFFC000  }
.LBB2_6:
0x91: {  	[tilespmem:s12], [sflag:$0x2] =	stream.indirect.gather [hbm4b:s5+s9], $0x80, s7, s9, $0xb8;
	[tilespmem:$0x1E800] =	vst v63  }
0x92: {  	s7 =	smov.u32 s6  }
0x93: {  	p0 =	sne.s32 s6, $0x4800;
	s6 =	sadd.s32 $0x400, s6;
	_ =	swait.ge [sflag:s8], $0x4000  }
0x94: {  	s7 =	sshra.s32 s7, $0x2;
	[sflag:s8] =	ssyncset.done $0x0  }
0x95: {  	s15 =	sadd.s32 $0x1400, s7;
	[sflag:s8] =	ssyncadd.s32 $0xFFFFC000  }
0x96: {  	[spmem:s2] =	stream.indirect.scatter.add.f32 [tilespmem:s10], [sflag:$0x3], $0x80, s15, s9, $0xb8;
	[tilespmem:$0x1E800] =	vst v63  }
0x97: {  	_ =	swait.ge [sflag:s11], $0x4000  }
0x98: {  	[sflag:s11] =	ssyncset.done $0x0  }
0x99: {  	s15 =	sadd.s32 $0x1480, s7;
	[sflag:s11] =	ssyncadd.s32 $0xFFFFC000  }
0x9a: {  	[spmem:s2] =	stream.indirect.scatter.add.f32 [tilespmem:s12], [sflag:$0x4], $0x80, s15, s9, $0xb8;
	[tilespmem:$0x1E800] =	vst v63  }
0x9b: {  	_ =	swait.ge [sflag:s13], $0x4000  }
0x9c: {  	[sflag:s13] =	ssyncset.done $0x0  }
.Ltmp3:
0x9d: {  	s15 =	sadd.s32 $0x100, s7;
	[sflag:s13] =	ssyncadd.s32 $0xFFFFC000;
	(pc) =	sbr.rel @p0 .LBB2_6-.Ltmp3, $4  }
0x9e: {  	[tilespmem:s10], [sflag:$0x1] =	stream.indirect.gather [hbm4b:s5+s9], $0x80, s15, s9, $0xb8;
	[tilespmem:$0x1E800] =	vst v63  }
0x9f: {  	_ =	swait.ge [sflag:s14], $0x4000  }
0xa0: {  	[sflag:s14] =	ssyncset.done $0x0  }
0xa1: {  	s7 =	sadd.s32 $0x180, s7;
	[sflag:s14] =	ssyncadd.s32 $0xFFFFC000  }
0xa2: {  	[tilespmem:s12], [sflag:$0x2] =	stream.indirect.gather [hbm4b:s5+s9], $0x80, s7, s9, $0xb8;
	[tilespmem:$0x1E800] =	vst v63  }
0xa3: {  	s21 =	simm.s32 $0x1  }
0xa4: {  	_ =	swait.ge [sflag:s21], $0x4000  }
0xa5: {  	s22 =	simm.s32 $0x80;
	s6 =	simm.s32 $0x2700;
	[sflag:s21] =	ssyncset.done $0x0  }
0xa6: {  	s23 =	simm.s32 $0x2800;
	s24 =	simm.s32 $0x2;
	[sflag:s21] =	ssyncadd.s32 $0xFFFFC000  }
0xa7: {  	[spmem:s2] =	stream.indirect.scatter.add.f32 [tilespmem:s23], [sflag:$0x3], $0x80, s6, s22, $0xb8;
	[tilespmem:$0x1E800] =	vst v63  }
0xa8: {  	_ =	swait.ge [sflag:s24], $0x4000  }
0xa9: {  	s25 =	simm.s32 $0x2780;
	[sflag:s24] =	ssyncset.done $0x0  }
0xaa: {  	s26 =	simm.s32 $0x6800;
	s28 =	simm.s32 $0x3;
	[sflag:s24] =	ssyncadd.s32 $0xFFFFC000  }
0xab: {  	[spmem:s2] =	stream.indirect.scatter.add.f32 [tilespmem:s26], [sflag:$0x4], $0x80, s25, s22, $0xb8;
	[tilespmem:$0x1E800] =	vst v63  }
0xac: {  	_ =	swait.ge [sflag:s28], $0x4000  }
0xad: {  	[sflag:s28] =	ssyncset.done $0x0  }
0xae: {  	s29 =	simm.s32 $0x4;
	[sflag:s28] =	ssyncadd.s32 $0xFFFFC000  }
0xaf: {  	_ =	swait.ge [sflag:s29], $0x4000  }
0xb0: {  	[sflag:s29] =	ssyncset.done $0x0  }
0xb1: {  	s30 =	sshll.u32 s1, $0x6;
	s3 =	sshrl.u32 s3, $0x3;
	[sflag:s29] =	ssyncadd.s32 $0xFFFFC000  }
0xb2: {  	s31 =	simm.s32 $0x5;
	s2 =	sor.u32 $0x1C05, s30;
	[bflag:$0x0] =	sbarrier.arrive $0xFFFF  }
0xb3: {  	[hbm:s4], [sflag:s2] =	dma.local [spmem:s3], $0x2800  }
0xb4: {  	_ =	swait.ge [sflag:s31], $0x2800  }
0xb5: {  	[sflag:s31] =	ssyncset.done $0x0  }
0xb6: {  	[sflag:s31] =	ssyncadd.s32 $0xFFFFD800  }
.LBB2_8:
0xb7: {  	_ =	sfence.sel $0x180000  }
0xb8: {  	[bflag:$0x0] =	sbarrier.arrive $0xFFFF  }
0xb9: {  	p0 =	sne.s32 s1, $0x0;
	_ =	strace $0x90000047  }
0xba: {  	s0 =	sadd.s32 @!p0 $0x100000, s0;
	[bflag:$0x2] =	sbarrier.arrive $0xFFFF  }
0xbb: {  	[sflag:s0] =	ssyncadd.tile.s32 @!p0 $0x1;
	_ =	shalt  }
.Lfunc_end2:
_tile_overlayer_lowered:
.L_overlay_start_2:
0xbc: {  	(tag) =	ssettag $0x2  }
0xbd: {  	s0 =	rddreg [dreg:$0x0];
	s2 =	stileid.u32  }
0xbe: {  	s1 =	rddreg [dreg:$0x1];
	p0 =	sne.s32 s2, $0x0  }
0xbf: {  	s3 =	rddreg [dreg:$0x2];
	[bflag:$0x3] =	sbarrier.arrive $0xFFFF;
	s2 =	simm.s32 @!p0 $0x1C05  }
0xc0: {  	[timem:s3], [sflag:s2] =	dma.local @!p0 [hbm:s0], s1  }
0xc1: {  	s0 =	simm.s32 @!p0 $0x5  }
0xc2: {  	_ =	swait.ge @!p0 [sflag:s0], s1  }
0xc3: {  	s1 =	ssub.s32 @!p0 $0x0, s1;
	[sflag:s0] =	ssyncset.done @!p0 $0x0  }
0xc4: {  	[sflag:s0] =	ssyncadd.s32 @!p0 s1  }
0xc5: {  	[bflag:$0x3] =	sbarrier.arrive $0xFFFF  }
0xc6: {  	_ =	shalt  }

</sc_bundles>
